<compile_context>
chip_gen: v7x
topology: tpu7x:2x2x1
jax: 0.10.2.dev20260603
libtpu: 0.0.44.dev20260713+nightly
codegen_flags: <defaults>
</compile_context>

<pallas_src>
import functools

import jax
import jax.numpy as jnp
from jax import lax
from jax.experimental import pallas as pl
from jax.experimental.pallas import tpu as pltpu
from jax.experimental.pallas import tpu_sc as plsc

NC = 2
NS = 16
NW = NC * NS
CHUNK = 128
DEG_W = 16
BN = 256
PB = 256


def _gather_rows_body(total, table_hbm, idx_hbm, out_hbm, idx_v, rows_v, sem):
    c = lax.axis_index("c")
    s = lax.axis_index("s")
    rpt = total // NW
    nchunks = rpt // CHUNK
    base = (c * NS + s) * rpt

    def chunk_body(i, _):
        off = base + i * CHUNK
        pltpu.sync_copy(idx_hbm.at[pl.ds(off, CHUNK)], idx_v)
        pltpu.async_copy(table_hbm.at[idx_v], rows_v, sem).wait()
        pltpu.sync_copy(rows_v, out_hbm.at[pl.ds(off, CHUNK)])
        return 0
    lax.fori_loop(0, nchunks, chunk_body, 0)


def _dense_body(x_ref, w_ref, b_ref, r_ref, dg_ref, p_ref, s_ref, dis_ref):
    h = lax.dot_general(x_ref[...], w_ref[...], (((1,), (1,)), ((), ())),
                        preferred_element_type=jnp.float32) + b_ref[...]
    deg = dg_ref[...] + 1.0
    dis = lax.rsqrt(deg)
    p_ref[...] = dis[:, :1] * jnp.maximum(h, 0.0)
    s_ref[...] = jnp.maximum(h + r_ref[...], 0.0) / deg[:, :1]
    dis_ref[...] = dis


def _prefix_body(nb, ms_ref, t_ref, carry):
    k = pl.program_id(0)

    @pl.when(k == 0)
    def _():
        carry[...] = jnp.zeros_like(carry)

    row = lax.broadcasted_iota(jnp.int32, (PB, PB), 0)
    col = lax.broadcasted_iota(jnp.int32, (PB, PB), 1)
    tri = jnp.where(row > col, 1.0, 0.0)
    blk = ms_ref[...]
    exc = lax.dot_general(tri, blk, (((1,), (0,)), ((), ())),
                          preferred_element_type=jnp.float32)
    t_ref[...] = exc + carry[...]
    carry[...] = carry[...] + jnp.sum(blk, axis=0, keepdims=True)


def _combine_body(te_ref, ts_ref, s_ref, dis_ref, out_ref):
    out_ref[...] = (dis_ref[...][:, :1] * (te_ref[...] - ts_ref[...])
                    + s_ref[...])


def kernel(x, edge_index, W, b, root_emb):
    N, D = x.shape
    E = edge_index.shape[1]

    n_unit = 2048
    n_pad = ((N + n_unit - 1) // n_unit) * n_unit
    if n_pad == N:
        n_pad += n_unit
    e_unit = NW * CHUNK
    e_pad = ((E + e_unit - 1) // e_unit) * e_unit
    g_pad = ((n_pad + e_unit - 1) // e_unit) * e_unit
    trash = jnp.int32(n_pad - 1)

    src = edge_index[0].astype(jnp.int32)
    dst = edge_index[1].astype(jnp.int32)
    pad_e = e_pad - E
    src_p = jnp.concatenate([src, jnp.full((pad_e,), trash, jnp.int32)])
    dst_p = jnp.concatenate([dst, jnp.full((pad_e,), trash, jnp.int32)])
    x_p = jnp.pad(x, ((0, n_pad - N), (0, 0)))

    packed = jnp.sort((dst_p << 14) | src_p)
    ssrc = packed & jnp.int32(16383)
    bnd = jnp.searchsorted(
        packed, jnp.arange(n_pad + 1, dtype=jnp.int32) << 14)
    bnd = bnd.astype(jnp.int32)
    bnd_s = jnp.pad(bnd[:n_pad], (0, g_pad - n_pad))
    bnd_e = jnp.pad(bnd[1:n_pad + 1], (0, g_pad - n_pad))
    deg_cnt = (bnd[1:n_pad + 1] - bnd[:n_pad]).astype(jnp.float32)
    deg_rows = jnp.broadcast_to(deg_cnt[:, None], (n_pad, DEG_W))

    mesh = plsc.VectorSubcoreMesh(core_axis_name="c", subcore_axis_name="s")

    grid = n_pad // BN
    p_arr, s_arr, dis_arr = pl.pallas_call(
        _dense_body,
        grid=(grid,),
        in_specs=[
            pl.BlockSpec((BN, D), lambda i: (i, 0)),
            pl.BlockSpec((D, D), lambda i: (0, 0)),
            pl.BlockSpec((1, D), lambda i: (0, 0)),
            pl.BlockSpec((1, D), lambda i: (0, 0)),
            pl.BlockSpec((BN, DEG_W), lambda i: (i, 0)),
        ],
        out_specs=[
            pl.BlockSpec((BN, D), lambda i: (i, 0)),
            pl.BlockSpec((BN, D), lambda i: (i, 0)),
            pl.BlockSpec((BN, DEG_W), lambda i: (i, 0)),
        ],
        out_shape=[
            jax.ShapeDtypeStruct((n_pad, D), jnp.float32),
            jax.ShapeDtypeStruct((n_pad, D), jnp.float32),
            jax.ShapeDtypeStruct((n_pad, DEG_W), jnp.float32),
        ],
    )(x_p, W, b.reshape(1, D), root_emb, deg_rows)

    gather_edges = pl.kernel(
        functools.partial(_gather_rows_body, e_pad),
        out_type=jax.ShapeDtypeStruct((e_pad, D), jnp.float32),
        mesh=mesh,
        scratch_types=[
            pltpu.VMEM((CHUNK,), jnp.int32),
            pltpu.VMEM((CHUNK, D), jnp.float32),
            pltpu.SemaphoreType.DMA,
        ],
    )
    ms = gather_edges(p_arr, ssrc)

    nb = e_pad // PB
    t_arr = pl.pallas_call(
        functools.partial(_prefix_body, nb),
        grid=(nb + 1,),
        in_specs=[pl.BlockSpec((PB, D),
                               lambda k: (jnp.minimum(k, nb - 1), 0))],
        out_specs=pl.BlockSpec((PB, D), lambda k: (k, 0)),
        out_shape=jax.ShapeDtypeStruct((e_pad + PB, D), jnp.float32),
        scratch_shapes=[pltpu.VMEM((1, D), jnp.float32)],
    )(ms)

    gather_nodes = pl.kernel(
        functools.partial(_gather_rows_body, g_pad),
        out_type=jax.ShapeDtypeStruct((g_pad, D), jnp.float32),
        mesh=mesh,
        scratch_types=[
            pltpu.VMEM((CHUNK,), jnp.int32),
            pltpu.VMEM((CHUNK, D), jnp.float32),
            pltpu.SemaphoreType.DMA,
        ],
    )
    te = gather_nodes(t_arr, bnd_e)
    ts = gather_nodes(t_arr, bnd_s)

    out_pad = pl.pallas_call(
        _combine_body,
        grid=(grid,),
        in_specs=[
            pl.BlockSpec((BN, D), lambda i: (i, 0)),
            pl.BlockSpec((BN, D), lambda i: (i, 0)),
            pl.BlockSpec((BN, D), lambda i: (i, 0)),
            pl.BlockSpec((BN, DEG_W), lambda i: (i, 0)),
        ],
        out_specs=pl.BlockSpec((BN, D), lambda i: (i, 0)),
        out_shape=jax.ShapeDtypeStruct((n_pad, D), jnp.float32),
    )(te, ts, s_arr, dis_arr)

    return out_pad[:N]

# --- scband reference (transcript-rebuilt; emitter-appended) ---
"""Pipeline reference for scband-dglgcnconv-21423296872969 (READ-ONLY COPY).

The authoritative reference and input builder live on the scoring server;
editing this copy changes nothing except your own understanding.
"""

import jax, jax.numpy as jnp
import numpy as np

N_NODES = 10000
N_EDGES = 320000
EMB_DIM = 128


def setup_inputs(seed: int = 0) -> dict:
    key = jax.random.key(seed)
    k_x, k_e, k_w, k_b, k_r = jax.random.split(key, 5)
    x = jax.random.normal(k_x, (N_NODES, EMB_DIM), dtype=jnp.float32)
    edge_index = jax.random.randint(k_e, (2, N_EDGES), 0, N_NODES, dtype=jnp.int64)
    # Learned params sized per init_kwargs (emb_dim=128)
    W = jax.random.normal(k_w, (EMB_DIM, EMB_DIM), dtype=jnp.float32) * (1.0 / np.sqrt(EMB_DIM))
    b = jax.random.normal(k_b, (EMB_DIM,), dtype=jnp.float32) * 0.01
    root_emb = jax.random.normal(k_r, (1, EMB_DIM), dtype=jnp.float32)
    return {"x": x, "edge_index": edge_index, "W": W, "b": b, "root_emb": root_emb}


def reference(x, edge_index, W, b, root_emb):
    # Faithful translation of DGLGCNConv.forward.
    # DGL convention: edge_index[0] = src, edge_index[1] = dst;
    # in_degrees() counts incoming edges at dst nodes.
    N = x.shape[0]
    src = edge_index[0]
    dst = edge_index[1]

    # x = self.linear(x)
    h = x @ W.T + b

    # deg = g.in_degrees().float() + 1.0
    deg = jnp.zeros((N,), dtype=jnp.float32).at[dst].add(1.0) + 1.0
    deg_inv_sqrt = deg ** (-0.5)
    # deg >= 1 so no infs, but keep the guard faithful
    deg_inv_sqrt = jnp.where(jnp.isinf(deg_inv_sqrt), 0.0, deg_inv_sqrt)

    # apply_edges: norm = deg_inv_sqrt[src] * deg_inv_sqrt[dst]
    norm = deg_inv_sqrt[src] * deg_inv_sqrt[dst]

    # message: m = norm * relu(h[src]); reduce: sum over incoming edges at dst
    m = norm[:, None] * jax.nn.relu(h[src])
    agg = jnp.zeros_like(h).at[dst].add(m)

    # self_loop = relu(x + root_emb) * (1/deg)
    self_loop = jax.nn.relu(h + root_emb) * (1.0 / deg)[:, None]

    return agg + self_loop

if __name__ == "__main__":
    import jax
    _d = setup_inputs()
    print(jax.jit(kernel)(*tuple(_d.values())))

</pallas_src>

<mosaic_0001>
#map = affine_map<(d0, d1) -> (0, 0)>
#map1 = affine_map<(d0, d1) -> (0)>
module attributes {stable_mosaic.version = 14 : i64} {
  func.func @_gather_rows_body(%arg0: i32, %arg1: i32, %arg2: memref<323840x128xf32, #tpu.memory_space<hbm>>, %arg3: memref<12288xi32, #tpu.memory_space<hbm>>, %arg4: memref<12288x128xf32, #tpu.memory_space<hbm>>, %arg5: memref<128xi32, #tpu.memory_space<vmem>>, %arg6: memref<128x128xf32, #tpu.memory_space<vmem>>, %arg7: memref<!tpu.dma_semaphore, #tpu.memory_space<semaphore_mem>>) attributes {dimension_semantics = [#tpu.dimension_semantics<core_parallel>, #tpu.dimension_semantics<subcore_parallel>], iteration_bounds = array<i64: 2, 16>, scalar_prefetch = 0 : i64, scratch_operands = 3 : i64, tpu.core_type = #tpu.core_type<sc_vector_subcore>, window_params = [{transform_indices = #map}, {transform_indices = #map1}, {transform_indices = #map}]} {
    %mul3A = arith.constant 16 : i32
    %mul3A_0 = arith.muli %arg0, %mul3A : i32
    %add3A = arith.addi %mul3A_0, %arg1 : i32
    %mul3A_1 = arith.constant 384 : i32
    %mul3A_2 = arith.muli %add3A, %mul3A_1 : i32
    %scan3A = arith.constant 0 : i32
    %scan3A_3 = arith.constant 0 : i32
    %scan3A_4 = arith.constant 3 : i32
    %scan3A_5 = arith.addi %scan3A_3, %scan3A_4 : i32
    %scan3A_6 = arith.constant 1 : i32
    %scan3A_7 = scf.for %scan3A_9 = %scan3A_3 to %scan3A_5 step %scan3A_6 iter_args(%scan3A_10 = %scan3A) -> (i32)  : i32 {
      %mul3A_11 = arith.constant 128 : i32
      %mul3A_12 = arith.muli %scan3A_9, %mul3A_11 : i32
      %add3A_13 = arith.addi %mul3A_2, %mul3A_12 : i32
      "tpu.region"() ({
        %run_scoped3A = tpu.sem_alloc : memref<!tpu.dma_semaphore, #tpu.memory_space<semaphore_mem>>
        %dma_start3A_19 = tpu.memref_slice %arg3[%add3A_13] : memref<12288xi32, #tpu.memory_space<hbm>> -> memref<128xi32, #tpu.memory_space<hbm>>
        %dma_start3A_20 = tpu.memref_slice %arg3[%add3A_13] : memref<12288xi32, #tpu.memory_space<hbm>> -> memref<128xi32, #tpu.memory_space<hbm>>
        tpu.enqueue_dma source(%dma_start3A_20 : memref<128xi32, #tpu.memory_space<hbm>>) target(%arg5 : memref<128xi32, #tpu.memory_space<vmem>>) target_semaphore(%run_scoped3A : memref<!tpu.dma_semaphore, #tpu.memory_space<semaphore_mem>>)
        %dma_wait3A_21 = tpu.memref_slice %arg3[%add3A_13] : memref<12288xi32, #tpu.memory_space<hbm>> -> memref<128xi32, #tpu.memory_space<hbm>>
        %dma_wait3A_22 = tpu.memref_slice %arg3[%add3A_13] : memref<12288xi32, #tpu.memory_space<hbm>> -> memref<128xi32, #tpu.memory_space<hbm>>
        tpu.wait_dma2 semaphore(%run_scoped3A : memref<!tpu.dma_semaphore, #tpu.memory_space<semaphore_mem>>) src(%dma_wait3A_22 : memref<128xi32, #tpu.memory_space<hbm>>) dst(%arg5 : memref<128xi32, #tpu.memory_space<vmem>>)
        tpu.yield
      }) : () -> ()
      %dma_start3A = arith.constant 0 : i32
      %dma_start3A_14 = arith.constant 0 : i32
      %dma_start3A_15 = tpu.memref_slice %arg2[%dma_start3A, %dma_start3A_14] : memref<323840x128xf32, #tpu.memory_space<hbm>> -> memref<323840x128xf32, #tpu.memory_space<hbm>>
      tpu.enqueue_indirect_dma source(%dma_start3A_15 : memref<323840x128xf32, #tpu.memory_space<hbm>>) target(%arg6 : memref<128x128xf32, #tpu.memory_space<vmem>>) offsets(%arg5 : memref<128xi32, #tpu.memory_space<vmem>>) semaphore(%arg7 : memref<!tpu.dma_semaphore, #tpu.memory_space<semaphore_mem>>)
      %dma_wait3A = arith.constant 0 : i32
      %dma_wait3A_16 = arith.constant 0 : i32
      %dma_wait3A_17 = tpu.memref_slice %arg2[%dma_wait3A, %dma_wait3A_16] : memref<323840x128xf32, #tpu.memory_space<hbm>> -> memref<323840x128xf32, #tpu.memory_space<hbm>>
      tpu.wait_indirect_dma semaphore(%arg7 : memref<!tpu.dma_semaphore, #tpu.memory_space<semaphore_mem>>) src(%dma_wait3A_17 : memref<323840x128xf32, #tpu.memory_space<hbm>>) dst(%arg6 : memref<128x128xf32, #tpu.memory_space<vmem>>)
      "tpu.region"() ({
        %run_scoped3A = tpu.sem_alloc : memref<!tpu.dma_semaphore, #tpu.memory_space<semaphore_mem>>
        %dma_start3A_19 = arith.constant 0 : i32
        %dma_start3A_20 = tpu.memref_slice %arg4[%add3A_13, %dma_start3A_19] : memref<12288x128xf32, #tpu.memory_space<hbm>> -> memref<128x128xf32, #tpu.memory_space<hbm>>
        %dma_start3A_21 = arith.constant 0 : i32
        %dma_start3A_22 = tpu.memref_slice %arg4[%add3A_13, %dma_start3A_21] : memref<12288x128xf32, #tpu.memory_space<hbm>> -> memref<128x128xf32, #tpu.memory_space<hbm>>
        tpu.enqueue_dma source(%arg6 : memref<128x128xf32, #tpu.memory_space<vmem>>) target(%dma_start3A_22 : memref<128x128xf32, #tpu.memory_space<hbm>>) target_semaphore(%run_scoped3A : memref<!tpu.dma_semaphore, #tpu.memory_space<semaphore_mem>>)
        %dma_wait3A_23 = arith.constant 0 : i32
        %dma_wait3A_24 = tpu.memref_slice %arg4[%add3A_13, %dma_wait3A_23] : memref<12288x128xf32, #tpu.memory_space<hbm>> -> memref<128x128xf32, #tpu.memory_space<hbm>>
        %dma_wait3A_25 = arith.constant 0 : i32
        %dma_wait3A_26 = tpu.memref_slice %arg4[%add3A_13, %dma_wait3A_25] : memref<12288x128xf32, #tpu.memory_space<hbm>> -> memref<128x128xf32, #tpu.memory_space<hbm>>
        tpu.wait_dma2 semaphore(%run_scoped3A : memref<!tpu.dma_semaphore, #tpu.memory_space<semaphore_mem>>) src(%arg6 : memref<128x128xf32, #tpu.memory_space<vmem>>) dst(%dma_wait3A_26 : memref<128x128xf32, #tpu.memory_space<hbm>>)
        tpu.yield
      }) : () -> ()
      %scan3A_18 = arith.constant 0 : i32
      scf.yield %scan3A_18 : i32
    }
    %scan3A_8 = arith.constant 3 : i32
    return
  }
}

#map = affine_map<(d0, d1) -> (0, 0)>
#map1 = affine_map<(d0, d1) -> (0)>
module attributes {stable_mosaic.version = 14 : i64} {
  func.func @_gather_rows_body(%arg0: i32, %arg1: i32, %arg2: memref<323840x128xf32, #tpu.memory_space<hbm>>, %arg3: memref<12288xi32, #tpu.memory_space<hbm>>, %arg4: memref<12288x128xf32, #tpu.memory_space<hbm>>, %arg5: memref<128xi32, #tpu.memory_space<vmem>>, %arg6: memref<128x128xf32, #tpu.memory_space<vmem>>, %arg7: memref<!tpu.dma_semaphore, #tpu.memory_space<semaphore_mem>>) attributes {dimension_semantics = [#tpu.dimension_semantics<core_parallel>, #tpu.dimension_semantics<subcore_parallel>], iteration_bounds = array<i64: 2, 16>, scalar_prefetch = 0 : i64, scratch_operands = 3 : i64, tpu.core_type = #tpu.core_type<sc_vector_subcore>, window_params = [{transform_indices = #map}, {transform_indices = #map1}, {transform_indices = #map}]} {
    %mul3A = arith.constant 16 : i32
    %mul3A_0 = arith.muli %arg0, %mul3A : i32
    %add3A = arith.addi %mul3A_0, %arg1 : i32
    %mul3A_1 = arith.constant 384 : i32
    %mul3A_2 = arith.muli %add3A, %mul3A_1 : i32
    %scan3A = arith.constant 0 : i32
    %scan3A_3 = arith.constant 0 : i32
    %scan3A_4 = arith.constant 3 : i32
    %scan3A_5 = arith.addi %scan3A_3, %scan3A_4 : i32
    %scan3A_6 = arith.constant 1 : i32
    %scan3A_7 = scf.for %scan3A_9 = %scan3A_3 to %scan3A_5 step %scan3A_6 iter_args(%scan3A_10 = %scan3A) -> (i32)  : i32 {
      %mul3A_11 = arith.constant 128 : i32
      %mul3A_12 = arith.muli %scan3A_9, %mul3A_11 : i32
      %add3A_13 = arith.addi %mul3A_2, %mul3A_12 : i32
      "tpu.region"() ({
        %run_scoped3A = tpu.sem_alloc : memref<!tpu.dma_semaphore, #tpu.memory_space<semaphore_mem>>
        %dma_start3A_19 = tpu.memref_slice %arg3[%add3A_13] : memref<12288xi32, #tpu.memory_space<hbm>> -> memref<128xi32, #tpu.memory_space<hbm>>
        %dma_start3A_20 = tpu.memref_slice %arg3[%add3A_13] : memref<12288xi32, #tpu.memory_space<hbm>> -> memref<128xi32, #tpu.memory_space<hbm>>
        tpu.enqueue_dma source(%dma_start3A_20 : memref<128xi32, #tpu.memory_space<hbm>>) target(%arg5 : memref<128xi32, #tpu.memory_space<vmem>>) target_semaphore(%run_scoped3A : memref<!tpu.dma_semaphore, #tpu.memory_space<semaphore_mem>>)
        %dma_wait3A_21 = tpu.memref_slice %arg3[%add3A_13] : memref<12288xi32, #tpu.memory_space<hbm>> -> memref<128xi32, #tpu.memory_space<hbm>>
        %dma_wait3A_22 = tpu.memref_slice %arg3[%add3A_13] : memref<12288xi32, #tpu.memory_space<hbm>> -> memref<128xi32, #tpu.memory_space<hbm>>
        tpu.wait_dma2 semaphore(%run_scoped3A : memref<!tpu.dma_semaphore, #tpu.memory_space<semaphore_mem>>) src(%dma_wait3A_22 : memref<128xi32, #tpu.memory_space<hbm>>) dst(%arg5 : memref<128xi32, #tpu.memory_space<vmem>>)
        tpu.yield
      }) : () -> ()
      %dma_start3A = arith.constant 0 : i32
      %dma_start3A_14 = arith.constant 0 : i32
      %dma_start3A_15 = tpu.memref_slice %arg2[%dma_start3A, %dma_start3A_14] : memref<323840x128xf32, #tpu.memory_space<hbm>> -> memref<323840x128xf32, #tpu.memory_space<hbm>>
      tpu.enqueue_indirect_dma source(%dma_start3A_15 : memref<323840x128xf32, #tpu.memory_space<hbm>>) target(%arg6 : memref<128x128xf32, #tpu.memory_space<vmem>>) offsets(%arg5 : memref<128xi32, #tpu.memory_space<vmem>>) semaphore(%arg7 : memref<!tpu.dma_semaphore, #tpu.memory_space<semaphore_mem>>)
      %dma_wait3A = arith.constant 0 : i32
      %dma_wait3A_16 = arith.constant 0 : i32
      %dma_wait3A_17 = tpu.memref_slice %arg2[%dma_wait3A, %dma_wait3A_16] : memref<323840x128xf32, #tpu.memory_space<hbm>> -> memref<323840x128xf32, #tpu.memory_space<hbm>>
      tpu.wait_indirect_dma semaphore(%arg7 : memref<!tpu.dma_semaphore, #tpu.memory_space<semaphore_mem>>) src(%dma_wait3A_17 : memref<323840x128xf32, #tpu.memory_space<hbm>>) dst(%arg6 : memref<128x128xf32, #tpu.memory_space<vmem>>)
      "tpu.region"() ({
        %run_scoped3A = tpu.sem_alloc : memref<!tpu.dma_semaphore, #tpu.memory_space<semaphore_mem>>
        %dma_start3A_19 = arith.constant 0 : i32
        %dma_start3A_20 = tpu.memref_slice %arg4[%add3A_13, %dma_start3A_19] : memref<12288x128xf32, #tpu.memory_space<hbm>> -> memref<128x128xf32, #tpu.memory_space<hbm>>
        %dma_start3A_21 = arith.constant 0 : i32
        %dma_start3A_22 = tpu.memref_slice %arg4[%add3A_13, %dma_start3A_21] : memref<12288x128xf32, #tpu.memory_space<hbm>> -> memref<128x128xf32, #tpu.memory_space<hbm>>
        tpu.enqueue_dma source(%arg6 : memref<128x128xf32, #tpu.memory_space<vmem>>) target(%dma_start3A_22 : memref<128x128xf32, #tpu.memory_space<hbm>>) target_semaphore(%run_scoped3A : memref<!tpu.dma_semaphore, #tpu.memory_space<semaphore_mem>>)
        %dma_wait3A_23 = arith.constant 0 : i32
        %dma_wait3A_24 = tpu.memref_slice %arg4[%add3A_13, %dma_wait3A_23] : memref<12288x128xf32, #tpu.memory_space<hbm>> -> memref<128x128xf32, #tpu.memory_space<hbm>>
        %dma_wait3A_25 = arith.constant 0 : i32
        %dma_wait3A_26 = tpu.memref_slice %arg4[%add3A_13, %dma_wait3A_25] : memref<12288x128xf32, #tpu.memory_space<hbm>> -> memref<128x128xf32, #tpu.memory_space<hbm>>
        tpu.wait_dma2 semaphore(%run_scoped3A : memref<!tpu.dma_semaphore, #tpu.memory_space<semaphore_mem>>) src(%arg6 : memref<128x128xf32, #tpu.memory_space<vmem>>) dst(%dma_wait3A_26 : memref<128x128xf32, #tpu.memory_space<hbm>>)
        tpu.yield
      }) : () -> ()
      %scan3A_18 = arith.constant 0 : i32
      scf.yield %scan3A_18 : i32
    }
    %scan3A_8 = arith.constant 3 : i32
    return
  }
}

#map = affine_map<(d0, d1) -> (0, 0)>
#map1 = affine_map<(d0, d1) -> (0)>
module attributes {stable_mosaic.version = 14 : i64} {
  func.func @_gather_rows_body(%arg0: i32, %arg1: i32, %arg2: memref<10240x128xf32, #tpu.memory_space<hbm>>, %arg3: memref<323584xi32, #tpu.memory_space<hbm>>, %arg4: memref<323584x128xf32, #tpu.memory_space<hbm>>, %arg5: memref<128xi32, #tpu.memory_space<vmem>>, %arg6: memref<128x128xf32, #tpu.memory_space<vmem>>, %arg7: memref<!tpu.dma_semaphore, #tpu.memory_space<semaphore_mem>>) attributes {dimension_semantics = [#tpu.dimension_semantics<core_parallel>, #tpu.dimension_semantics<subcore_parallel>], iteration_bounds = array<i64: 2, 16>, scalar_prefetch = 0 : i64, scratch_operands = 3 : i64, tpu.core_type = #tpu.core_type<sc_vector_subcore>, window_params = [{transform_indices = #map}, {transform_indices = #map1}, {transform_indices = #map}]} {
    %mul3A = arith.constant 16 : i32
    %mul3A_0 = arith.muli %arg0, %mul3A : i32
    %add3A = arith.addi %mul3A_0, %arg1 : i32
    %mul3A_1 = arith.constant 10112 : i32
    %mul3A_2 = arith.muli %add3A, %mul3A_1 : i32
    %scan3A = arith.constant 0 : i32
    %scan3A_3 = arith.constant 0 : i32
    %scan3A_4 = arith.constant 79 : i32
    %scan3A_5 = arith.addi %scan3A_3, %scan3A_4 : i32
    %scan3A_6 = arith.constant 1 : i32
    %scan3A_7 = scf.for %scan3A_9 = %scan3A_3 to %scan3A_5 step %scan3A_6 iter_args(%scan3A_10 = %scan3A) -> (i32)  : i32 {
      %mul3A_11 = arith.constant 128 : i32
      %mul3A_12 = arith.muli %scan3A_9, %mul3A_11 : i32
      %add3A_13 = arith.addi %mul3A_2, %mul3A_12 : i32
      "tpu.region"() ({
        %run_scoped3A = tpu.sem_alloc : memref<!tpu.dma_semaphore, #tpu.memory_space<semaphore_mem>>
        %dma_start3A_19 = tpu.memref_slice %arg3[%add3A_13] : memref<323584xi32, #tpu.memory_space<hbm>> -> memref<128xi32, #tpu.memory_space<hbm>>
        %dma_start3A_20 = tpu.memref_slice %arg3[%add3A_13] : memref<323584xi32, #tpu.memory_space<hbm>> -> memref<128xi32, #tpu.memory_space<hbm>>
        tpu.enqueue_dma source(%dma_start3A_20 : memref<128xi32, #tpu.memory_space<hbm>>) target(%arg5 : memref<128xi32, #tpu.memory_space<vmem>>) target_semaphore(%run_scoped3A : memref<!tpu.dma_semaphore, #tpu.memory_space<semaphore_mem>>)
        %dma_wait3A_21 = tpu.memref_slice %arg3[%add3A_13] : memref<323584xi32, #tpu.memory_space<hbm>> -> memref<128xi32, #tpu.memory_space<hbm>>
        %dma_wait3A_22 = tpu.memref_slice %arg3[%add3A_13] : memref<323584xi32, #tpu.memory_space<hbm>> -> memref<128xi32, #tpu.memory_space<hbm>>
        tpu.wait_dma2 semaphore(%run_scoped3A : memref<!tpu.dma_semaphore, #tpu.memory_space<semaphore_mem>>) src(%dma_wait3A_22 : memref<128xi32, #tpu.memory_space<hbm>>) dst(%arg5 : memref<128xi32, #tpu.memory_space<vmem>>)
        tpu.yield
      }) : () -> ()
      %dma_start3A = arith.constant 0 : i32
      %dma_start3A_14 = arith.constant 0 : i32
      %dma_start3A_15 = tpu.memref_slice %arg2[%dma_start3A, %dma_start3A_14] : memref<10240x128xf32, #tpu.memory_space<hbm>> -> memref<10240x128xf32, #tpu.memory_space<hbm>>
      tpu.enqueue_indirect_dma source(%dma_start3A_15 : memref<10240x128xf32, #tpu.memory_space<hbm>>) target(%arg6 : memref<128x128xf32, #tpu.memory_space<vmem>>) offsets(%arg5 : memref<128xi32, #tpu.memory_space<vmem>>) semaphore(%arg7 : memref<!tpu.dma_semaphore, #tpu.memory_space<semaphore_mem>>)
      %dma_wait3A = arith.constant 0 : i32
      %dma_wait3A_16 = arith.constant 0 : i32
      %dma_wait3A_17 = tpu.memref_slice %arg2[%dma_wait3A, %dma_wait3A_16] : memref<10240x128xf32, #tpu.memory_space<hbm>> -> memref<10240x128xf32, #tpu.memory_space<hbm>>
      tpu.wait_indirect_dma semaphore(%arg7 : memref<!tpu.dma_semaphore, #tpu.memory_space<semaphore_mem>>) src(%dma_wait3A_17 : memref<10240x128xf32, #tpu.memory_space<hbm>>) dst(%arg6 : memref<128x128xf32, #tpu.memory_space<vmem>>)
      "tpu.region"() ({
        %run_scoped3A = tpu.sem_alloc : memref<!tpu.dma_semaphore, #tpu.memory_space<semaphore_mem>>
        %dma_start3A_19 = arith.constant 0 : i32
        %dma_start3A_20 = tpu.memref_slice %arg4[%add3A_13, %dma_start3A_19] : memref<323584x128xf32, #tpu.memory_space<hbm>> -> memref<128x128xf32, #tpu.memory_space<hbm>>
        %dma_start3A_21 = arith.constant 0 : i32
        %dma_start3A_22 = tpu.memref_slice %arg4[%add3A_13, %dma_start3A_21] : memref<323584x128xf32, #tpu.memory_space<hbm>> -> memref<128x128xf32, #tpu.memory_space<hbm>>
        tpu.enqueue_dma source(%arg6 : memref<128x128xf32, #tpu.memory_space<vmem>>) target(%dma_start3A_22 : memref<128x128xf32, #tpu.memory_space<hbm>>) target_semaphore(%run_scoped3A : memref<!tpu.dma_semaphore, #tpu.memory_space<semaphore_mem>>)
        %dma_wait3A_23 = arith.constant 0 : i32
        %dma_wait3A_24 = tpu.memref_slice %arg4[%add3A_13, %dma_wait3A_23] : memref<323584x128xf32, #tpu.memory_space<hbm>> -> memref<128x128xf32, #tpu.memory_space<hbm>>
        %dma_wait3A_25 = arith.constant 0 : i32
        %dma_wait3A_26 = tpu.memref_slice %arg4[%add3A_13, %dma_wait3A_25] : memref<323584x128xf32, #tpu.memory_space<hbm>> -> memref<128x128xf32, #tpu.memory_space<hbm>>
        tpu.wait_dma2 semaphore(%run_scoped3A : memref<!tpu.dma_semaphore, #tpu.memory_space<semaphore_mem>>) src(%arg6 : memref<128x128xf32, #tpu.memory_space<vmem>>) dst(%dma_wait3A_26 : memref<128x128xf32, #tpu.memory_space<hbm>>)
        tpu.yield
      }) : () -> ()
      %scan3A_18 = arith.constant 0 : i32
      scf.yield %scan3A_18 : i32
    }
    %scan3A_8 = arith.constant 79 : i32
    return
  }
}

module attributes {stable_mosaic.version = 14 : i64} {
  func.func @_dense_body(%arg0: i32, %arg1: memref<256x128xf32, #tpu.memory_space<vmem>>, %arg2: memref<128x128xf32, #tpu.memory_space<vmem>>, %arg3: memref<1x128xf32, #tpu.memory_space<vmem>>, %arg4: memref<1x128xf32, #tpu.memory_space<vmem>>, %arg5: memref<256x16xf32, #tpu.memory_space<vmem>>, %arg6: memref<256x128xf32, #tpu.memory_space<vmem>>, %arg7: memref<256x128xf32, #tpu.memory_space<vmem>>, %arg8: memref<256x16xf32, #tpu.memory_space<vmem>>) attributes {dimension_semantics = [#tpu.dimension_semantics<arbitrary>], iteration_bounds = array<i64: 40>, scalar_prefetch = 0 : i64, scratch_operands = 0 : i64, tpu.core_type = #tpu.core_type<tc>, window_params = [{transform_indices = @transform_0, window_bounds = array<i64: 256, 128>}, {pipeline_mode = #tpu.pipeline_mode<synchronous>, transform_indices = @transform_1, window_bounds = array<i64: 128, 128>}, {pipeline_mode = #tpu.pipeline_mode<synchronous>, transform_indices = @transform_2, window_bounds = array<i64: 1, 128>}, {pipeline_mode = #tpu.pipeline_mode<synchronous>, transform_indices = @transform_3, window_bounds = array<i64: 1, 128>}, {transform_indices = @transform_4, window_bounds = array<i64: 256, 16>}, {transform_indices = @transform_5, window_bounds = array<i64: 256, 128>}, {transform_indices = @transform_6, window_bounds = array<i64: 256, 128>}, {transform_indices = @transform_7, window_bounds = array<i64: 256, 16>}]} {
    %get3A = arith.constant 0 : index
    %get3A_0 = arith.constant 0 : index
    %get3A_1 = vector.load %arg1[%get3A, %get3A_0] : memref<256x128xf32, #tpu.memory_space<vmem>>, vector<256x128xf32>
    %get3A_2 = arith.constant 0 : index
    %get3A_3 = arith.constant 0 : index
    %get3A_4 = vector.load %arg2[%get3A_2, %get3A_3] : memref<128x128xf32, #tpu.memory_space<vmem>>, vector<128x128xf32>
    %dot_general3A = arith.constant dense<0.000000e+00> : vector<256x128xf32>
    %dot_general3A_5 = tpu.matmul %get3A_1, %get3A_4, %dot_general3A {dimension_numbers = #tpu.dot_dimension_numbers<[1], [1], [0], [0], [0, 0, 1, 0], [], []>, transpose_lhs_hint = false} : vector<256x128xf32>, vector<128x128xf32>, vector<256x128xf32> -> vector<256x128xf32>
    %get3A_6 = arith.constant 0 : index
    %get3A_7 = arith.constant 0 : index
    %get3A_8 = vector.load %arg3[%get3A_6, %get3A_7] : memref<1x128xf32, #tpu.memory_space<vmem>>, vector<1x128xf32>
    %add3A = vector.broadcast %get3A_8 : vector<1x128xf32> to vector<256x128xf32>
    %add3A_9 = arith.addf %dot_general3A_5, %add3A : vector<256x128xf32>
    %get3A_10 = arith.constant 0 : index
    %get3A_11 = arith.constant 0 : index
    %get3A_12 = vector.load %arg5[%get3A_10, %get3A_11] : memref<256x16xf32, #tpu.memory_space<vmem>>, vector<256x16xf32>
    %add3A_13 = arith.constant 1.000000e+00 : f32
    %add3A_14 = vector.broadcast %add3A_13 : f32 to vector<256x16xf32>
    %add3A_15 = arith.addf %get3A_12, %add3A_14 : vector<256x16xf32>
    %rsqrt3A = math.rsqrt %add3A_15 : vector<256x16xf32>
    %slice3A = vector.extract_strided_slice %rsqrt3A {offsets = [0, 0], sizes = [256, 1], strides = [1, 1]} : vector<256x16xf32> to vector<256x1xf32>
    %max3A = arith.constant 0.000000e+00 : f32
    %max3A_16 = vector.broadcast %max3A : f32 to vector<256x128xf32>
    %max3A_17 = arith.maximumf %add3A_9, %max3A_16 : vector<256x128xf32>
    %mul3A = vector.broadcast %slice3A : vector<256x1xf32> to vector<256x128xf32>
    %mul3A_18 = arith.mulf %mul3A, %max3A_17 : vector<256x128xf32>
    %swap3A = arith.constant 0 : index
    %swap3A_19 = arith.constant 0 : index
    %swap3A_20 = vector.load %arg6[%swap3A, %swap3A_19] : memref<256x128xf32, #tpu.memory_space<vmem>>, vector<256x128xf32>
    tpu.vector_store %arg6[%swap3A, %swap3A_19], %mul3A_18 {strides = array<i32>} : memref<256x128xf32, #tpu.memory_space<vmem>>, vector<256x128xf32>,
    %get3A_21 = arith.constant 0 : index
    %get3A_22 = arith.constant 0 : index
    %get3A_23 = vector.load %arg4[%get3A_21, %get3A_22] : memref<1x128xf32, #tpu.memory_space<vmem>>, vector<1x128xf32>
    %add3A_24 = vector.broadcast %get3A_23 : vector<1x128xf32> to vector<256x128xf32>
    %add3A_25 = arith.addf %add3A_9, %add3A_24 : vector<256x128xf32>
    %max3A_26 = arith.constant 0.000000e+00 : f32
    %max3A_27 = vector.broadcast %max3A_26 : f32 to vector<256x128xf32>
    %max3A_28 = arith.maximumf %add3A_25, %max3A_27 : vector<256x128xf32>
    %slice3A_29 = vector.extract_strided_slice %add3A_15 {offsets = [0, 0], sizes = [256, 1], strides = [1, 1]} : vector<256x16xf32> to vector<256x1xf32>
    %div3A = vector.broadcast %slice3A_29 : vector<256x1xf32> to vector<256x128xf32>
    %div3A_30 = arith.divf %max3A_28, %div3A : vector<256x128xf32>
    %swap3A_31 = arith.constant 0 : index
    %swap3A_32 = arith.constant 0 : index
    %swap3A_33 = vector.load %arg7[%swap3A_31, %swap3A_32] : memref<256x128xf32, #tpu.memory_space<vmem>>, vector<256x128xf32>
    tpu.vector_store %arg7[%swap3A_31, %swap3A_32], %div3A_30 {strides = array<i32>} : memref<256x128xf32, #tpu.memory_space<vmem>>, vector<256x128xf32>,
    %swap3A_34 = arith.constant 0 : index
    %swap3A_35 = arith.constant 0 : index
    %swap3A_36 = vector.load %arg8[%swap3A_34, %swap3A_35] : memref<256x16xf32, #tpu.memory_space<vmem>>, vector<256x16xf32>
    tpu.vector_store %arg8[%swap3A_34, %swap3A_35], %rsqrt3A {strides = array<i32>} : memref<256x16xf32, #tpu.memory_space<vmem>>, vector<256x16xf32>,
    return
  }
  func.func @transform_0(%arg0: i32) -> (i32, i32) {
    %c0_i32 = arith.constant 0 : i32
    %c0_i32_0 = arith.constant 0 : i32
    return %arg0, %c0_i32 : i32, i32
  }
  func.func @transform_1(%arg0: i32) -> (i32, i32) {
    %c0_i32 = arith.constant 0 : i32
    %c0_i32_0 = arith.constant 0 : i32
    %c0_i32_1 = arith.constant 0 : i32
    return %c0_i32, %c0_i32_0 : i32, i32
  }
  func.func @transform_2(%arg0: i32) -> (i32, i32) {
    %c0_i32 = arith.constant 0 : i32
    %c0_i32_0 = arith.constant 0 : i32
    %c0_i32_1 = arith.constant 0 : i32
    return %c0_i32, %c0_i32_0 : i32, i32
  }
  func.func @transform_3(%arg0: i32) -> (i32, i32) {
    %c0_i32 = arith.constant 0 : i32
    %c0_i32_0 = arith.constant 0 : i32
    %c0_i32_1 = arith.constant 0 : i32
    return %c0_i32, %c0_i32_0 : i32, i32
  }
  func.func @transform_4(%arg0: i32) -> (i32, i32) {
    %c0_i32 = arith.constant 0 : i32
    %c0_i32_0 = arith.constant 0 : i32
    return %arg0, %c0_i32 : i32, i32
  }
  func.func @transform_5(%arg0: i32) -> (i32, i32) {
    %c0_i32 = arith.constant 0 : i32
    %c0_i32_0 = arith.constant 0 : i32
    return %arg0, %c0_i32 : i32, i32
  }
  func.func @transform_6(%arg0: i32) -> (i32, i32) {
    %c0_i32 = arith.constant 0 : i32
    %c0_i32_0 = arith.constant 0 : i32
    return %arg0, %c0_i32 : i32, i32
  }
  func.func @transform_7(%arg0: i32) -> (i32, i32) {
    %c0_i32 = arith.constant 0 : i32
    %c0_i32_0 = arith.constant 0 : i32
    return %arg0, %c0_i32 : i32, i32
  }
}

module attributes {stable_mosaic.version = 14 : i64} {
  func.func @_prefix_body(%arg0: i32, %arg1: memref<256x128xf32, #tpu.memory_space<vmem>>, %arg2: memref<256x128xf32, #tpu.memory_space<vmem>>, %arg3: memref<1x128xf32, #tpu.memory_space<vmem>>) attributes {dimension_semantics = [#tpu.dimension_semantics<arbitrary>], iteration_bounds = array<i64: 1265>, scalar_prefetch = 0 : i64, scratch_operands = 1 : i64, tpu.core_type = #tpu.core_type<tc>, window_params = [{transform_indices = @transform_0, window_bounds = array<i64: 256, 128>}, {transform_indices = @transform_1, window_bounds = array<i64: 256, 128>}]} {
    %eq3A = arith.constant 0 : i32
    %eq3A_0 = arith.cmpi eq, %arg0, %eq3A : i32
    %convert_element_type3A = arith.extui %eq3A_0 : i1 to i32
    %cond3A = arith.constant 0 : i32
    %cond3A_1 = arith.cmpi ne, %convert_element_type3A, %cond3A : i32
    scf.if %cond3A_1 {
      %broadcast_in_dim3A_23 = arith.constant 0.000000e+00 : f32
      %broadcast_in_dim3A_24 = vector.broadcast %broadcast_in_dim3A_23 : f32 to vector<1x128xf32>
      %swap3A_25 = arith.constant 0 : index
      %swap3A_26 = arith.constant 0 : index
      %swap3A_27 = vector.load %arg3[%swap3A_25, %swap3A_26] : memref<1x128xf32, #tpu.memory_space<vmem>>, vector<1x128xf32>
      tpu.vector_store %arg3[%swap3A_25, %swap3A_26], %broadcast_in_dim3A_24 {strides = array<i32>} : memref<1x128xf32, #tpu.memory_space<vmem>>, vector<1x128xf32>,
    } else {
    }
    %iota3A = tpu.iota {dimensions = array<i32: 0>} : vector<256x256xi32>
    %iota3A_2 = tpu.iota {dimensions = array<i32: 1>} : vector<256x256xi32>
    %gt3A = arith.cmpi sgt, %iota3A, %iota3A_2 : vector<256x256xi32>
    %jit3A = arith.constant 1.000000e+00 : f32
    %jit3A_3 = arith.constant 0.000000e+00 : f32
    %broadcast_in_dim3A = vector.broadcast %jit3A : f32 to vector<256x256xf32>
    %broadcast_in_dim3A_4 = vector.broadcast %jit3A_3 : f32 to vector<256x256xf32>
    %select_n3A = arith.select %gt3A, %broadcast_in_dim3A, %broadcast_in_dim3A_4 : vector<256x256xi1>, vector<256x256xf32>
    %get3A = arith.constant 0 : index
    %get3A_5 = arith.constant 0 : index
    %get3A_6 = vector.load %arg1[%get3A, %get3A_5] : memref<256x128xf32, #tpu.memory_space<vmem>>, vector<256x128xf32>
    %dot_general3A = arith.constant dense<0.000000e+00> : vector<256x128xf32>
    %dot_general3A_7 = tpu.matmul %select_n3A, %get3A_6, %dot_general3A {dimension_numbers = #tpu.dot_dimension_numbers<[1], [0], [0], [1], [0, 0, 1, 1], [], []>, transpose_lhs_hint = false} : vector<256x256xf32>, vector<256x128xf32>, vector<256x128xf32> -> vector<256x128xf32>
    %get3A_8 = arith.constant 0 : index
    %get3A_9 = arith.constant 0 : index
    %get3A_10 = vector.load %arg3[%get3A_8, %get3A_9] : memref<1x128xf32, #tpu.memory_space<vmem>>, vector<1x128xf32>
    %add3A = vector.broadcast %get3A_10 : vector<1x128xf32> to vector<256x128xf32>
    %add3A_11 = arith.addf %dot_general3A_7, %add3A : vector<256x128xf32>
    %swap3A = arith.constant 0 : index
    %swap3A_12 = arith.constant 0 : index
    %swap3A_13 = vector.load %arg2[%swap3A, %swap3A_12] : memref<256x128xf32, #tpu.memory_space<vmem>>, vector<256x128xf32>
    tpu.vector_store %arg2[%swap3A, %swap3A_12], %add3A_11 {strides = array<i32>} : memref<256x128xf32, #tpu.memory_space<vmem>>, vector<256x128xf32>,
    %get3A_14 = arith.constant 0 : index
    %get3A_15 = arith.constant 0 : index
    %get3A_16 = vector.load %arg3[%get3A_14, %get3A_15] : memref<1x128xf32, #tpu.memory_space<vmem>>, vector<1x128xf32>
    %reduce_sum3A = arith.constant dense<0.000000e+00> : vector<128xf32>
    %reduce_sum3A_17 = vector.multi_reduction <add>, %get3A_6, %reduce_sum3A [0] : vector<256x128xf32> to vector<128xf32>
    %broadcast_in_dim3A_18 = vector.shape_cast %reduce_sum3A_17 : vector<128xf32> to vector<1x128xf32>
    %add3A_19 = arith.addf %get3A_16, %broadcast_in_dim3A_18 : vector<1x128xf32>
    %swap3A_20 = arith.constant 0 : index
    %swap3A_21 = arith.constant 0 : index
    %swap3A_22 = vector.load %arg3[%swap3A_20, %swap3A_21] : memref<1x128xf32, #tpu.memory_space<vmem>>, vector<1x128xf32>
    tpu.vector_store %arg3[%swap3A_20, %swap3A_21], %add3A_19 {strides = array<i32>} : memref<1x128xf32, #tpu.memory_space<vmem>>, vector<1x128xf32>,
    return
  }
  func.func @transform_0(%arg0: i32) -> (i32, i32) {
    %min3A = arith.constant 1263 : i32
    %min3A_0 = arith.minsi %arg0, %min3A : i32
    %c0_i32 = arith.constant 0 : i32
    %c0_i32_1 = arith.constant 0 : i32
    return %min3A_0, %c0_i32 : i32, i32
  }
  func.func @transform_1(%arg0: i32) -> (i32, i32) {
    %c0_i32 = arith.constant 0 : i32
    %c0_i32_0 = arith.constant 0 : i32
    return %arg0, %c0_i32 : i32, i32
  }
}

module attributes {stable_mosaic.version = 14 : i64} {
  func.func @_combine_body(%arg0: i32, %arg1: memref<256x128xf32, #tpu.memory_space<vmem>>, %arg2: memref<256x128xf32, #tpu.memory_space<vmem>>, %arg3: memref<256x128xf32, #tpu.memory_space<vmem>>, %arg4: memref<256x16xf32, #tpu.memory_space<vmem>>, %arg5: memref<256x128xf32, #tpu.memory_space<vmem>>) attributes {dimension_semantics = [#tpu.dimension_semantics<arbitrary>], iteration_bounds = array<i64: 40>, scalar_prefetch = 0 : i64, scratch_operands = 0 : i64, tpu.core_type = #tpu.core_type<tc>, window_params = [{transform_indices = @transform_0, window_bounds = array<i64: 256, 128>}, {transform_indices = @transform_1, window_bounds = array<i64: 256, 128>}, {transform_indices = @transform_2, window_bounds = array<i64: 256, 128>}, {transform_indices = @transform_3, window_bounds = array<i64: 256, 16>}, {transform_indices = @transform_4, window_bounds = array<i64: 256, 128>}]} {
    %get3A = arith.constant 0 : index
    %get3A_0 = arith.constant 0 : index
    %get3A_1 = vector.load %arg4[%get3A, %get3A_0] : memref<256x16xf32, #tpu.memory_space<vmem>>, vector<256x16xf32>
    %slice3A = vector.extract_strided_slice %get3A_1 {offsets = [0, 0], sizes = [256, 1], strides = [1, 1]} : vector<256x16xf32> to vector<256x1xf32>
    %get3A_2 = arith.constant 0 : index
    %get3A_3 = arith.constant 0 : index
    %get3A_4 = vector.load %arg1[%get3A_2, %get3A_3] : memref<256x128xf32, #tpu.memory_space<vmem>>, vector<256x128xf32>
    %get3A_5 = arith.constant 0 : index
    %get3A_6 = arith.constant 0 : index
    %get3A_7 = vector.load %arg2[%get3A_5, %get3A_6] : memref<256x128xf32, #tpu.memory_space<vmem>>, vector<256x128xf32>
    %sub3A = arith.subf %get3A_4, %get3A_7 : vector<256x128xf32>
    %mul3A = vector.broadcast %slice3A : vector<256x1xf32> to vector<256x128xf32>
    %mul3A_8 = arith.mulf %mul3A, %sub3A : vector<256x128xf32>
    %get3A_9 = arith.constant 0 : index
    %get3A_10 = arith.constant 0 : index
    %get3A_11 = vector.load %arg3[%get3A_9, %get3A_10] : memref<256x128xf32, #tpu.memory_space<vmem>>, vector<256x128xf32>
    %add3A = arith.addf %mul3A_8, %get3A_11 : vector<256x128xf32>
    %swap3A = arith.constant 0 : index
    %swap3A_12 = arith.constant 0 : index
    %swap3A_13 = vector.load %arg5[%swap3A, %swap3A_12] : memref<256x128xf32, #tpu.memory_space<vmem>>, vector<256x128xf32>
    tpu.vector_store %arg5[%swap3A, %swap3A_12], %add3A {strides = array<i32>} : memref<256x128xf32, #tpu.memory_space<vmem>>, vector<256x128xf32>,
    return
  }
  func.func @transform_0(%arg0: i32) -> (i32, i32) {
    %c0_i32 = arith.constant 0 : i32
    %c0_i32_0 = arith.constant 0 : i32
    return %arg0, %c0_i32 : i32, i32
  }
  func.func @transform_1(%arg0: i32) -> (i32, i32) {
    %c0_i32 = arith.constant 0 : i32
    %c0_i32_0 = arith.constant 0 : i32
    return %arg0, %c0_i32 : i32, i32
  }
  func.func @transform_2(%arg0: i32) -> (i32, i32) {
    %c0_i32 = arith.constant 0 : i32
    %c0_i32_0 = arith.constant 0 : i32
    return %arg0, %c0_i32 : i32, i32
  }
  func.func @transform_3(%arg0: i32) -> (i32, i32) {
    %c0_i32 = arith.constant 0 : i32
    %c0_i32_0 = arith.constant 0 : i32
    return %arg0, %c0_i32 : i32, i32
  }
  func.func @transform_4(%arg0: i32) -> (i32, i32) {
    %c0_i32 = arith.constant 0 : i32
    %c0_i32_0 = arith.constant 0 : i32
    return %arg0, %c0_i32 : i32, i32
  }
}

</mosaic_0001>

<sc_bundles>
// kernel: kernel.11.cloned.1.call-start
scs
__scs_entry_jumppad:
0x0: {  	(pc) =	sbr.rel $0x88, $3  }
0x1: {  	(tag) =	ssettag $0x0;
	lr =	simm.s32 $0x1  }
0x2: {  	[smem:$0x3F9C] =	sst lr;
	_ =	strace $0xD0000000  }
0x3: {  	_ = 	snop  }
0x4: {  	_ = 	snop  }
0x5: {  	_ = 	snop  }
0x6: {  	_ = 	snop  }
0x7: {  	_ = 	snop  }
__scs_overlays_trampoline_lowered:
0x8: {  	[smem:$0x3FAB] =	sst s0  }
0x9: {  	[smem:$0x3FAC] =	sst s1  }
0xa: {  	[smem:$0x3FAD] =	sst s2  }
0xb: {  	[smem:$0x3FAE] =	sst s3  }
0xc: {  	[smem:$0x3FAF] =	sst s4  }
0xd: {  	[smem:$0x3FB0] =	sst s5  }
0xe: {  	[smem:$0x3FB1] =	sst s6  }
0xf: {  	[smem:$0x3FB2] =	sst s7  }
0x10: {  	[smem:$0x3FB3] =	sst s8  }
0x11: {  	[smem:$0x3FB4] =	sst s9;
	s0 =	simm.s32 @!p0 $0x0  }
0x12: {  	s1 =	sld [smem:$0x3F9A];
	s0 =	simm.s32 @p0 $0x1  }
0x13: {  	[smem:$0x3FB5] =	sst s0;
	s0 =	simm.s32 @!p1 $0x0  }
0x14: {  	s2 =	sld [smem:$0x3F99];
	s0 =	simm.s32 @p1 $0x1  }
0x15: {  	[smem:$0x3FB6] =	sst s0;
	s0 =	simm.s32 @!p2 $0x0  }
0x16: {  	s3 =	sld [smem:$0x3FDB];
	s0 =	simm.s32 @p2 $0x1  }
0x17: {  	s4 =	simm.s32 $0x1BF5;
	[smem:$0x3FB8] =	sst s0  }
0x18: {  	s0 =	sld [smem:$0x3F9B];
	_ =	swait.ge [sflag:s4], $0x0  }
0x19: {  	s7 =	sld [smem:$0x3F9C]  }
0x1a: {  	s8 =	sadd.s32 $0xFFFFE003, lr  }
0x1b: {  	s9 =	sadd.s32 $0xFFFFFEF7, lr;
	s5 =	simm.s32 $0xFFFFFFFF;
	p2 =	slt.u32 s8, $0xFFFFF086  }
0x1c: {  	p1 =	slt.u32 s9, $0xF7A;
	s5 =	simm.s32 @!p2 $0x0  }
0x1d: {  	s5 =	simm.s32 @p1 $0x1;
	p0 =	seq.s32 s7, s2  }
0x1e: {  	s7 =	smul.u32 @!p0 $0xF7A, s2;
	p2 =	seq.s32 @!p0 s5, $0x0  }
0x1f: {  	s9 =	smul.u32 $0xF7A, s1;
	s8 =	simm.s32 @!p0 $0x1BF5;
	p2 =	por !p2, p0  }
0x20: {  	[sflag:s8] =	ssyncset.s32 @!p0 $0xFFFFF086;
	s6 =	sadd.s32 @!p0 s3, s7;
	s7 =	simm.s32 @!p0 $0x108  }
0x21: {  	s3 =	sadd.s32 s3, s9;
	s6 =	sadd.s32 @!p0 $0x88, s6;
	s7 =	simm.s32 @p2 $0x1082  }
0x22: {  	[simem:s7], [sflag:s8] =	dma.local @!p0 [hbm:s6], $0xF7A  }
0x23: {  	s9 =	sor.u32 $0xD0000000, s2;
	s6 =	simm.s32 $0x108;
	_ =	swait.ge @!p0 [sflag:s8], $0x0  }
0x24: {  	s3 =	sadd.s32 $0x88, s3;
	s6 =	simm.s32 @!p1 $0x1082;
	[sflag:s4] =	ssyncset.s32 $0xFFFFF086  }
0x25: {  	[simem:s6], [sflag:s4] =	dma.local [hbm:s3], $0xF7A  }
0x26: {  	[smem:$0x3F9C] =	sst s1;
	(tag) =	ssettag s2;
	_ =	strace s9  }
0x27: {  	s1 =	sld [smem:$0x3FAC]  }
0x28: {  	s2 =	sld [smem:$0x3FAD]  }
0x29: {  	s4 =	sld [smem:$0x3FAF]  }
0x2a: {  	p0 =	seq.s32 s5, $0x0;
	s5 =	sld [smem:$0x3FB0]  }
0x2b: {  	s6 =	sld [smem:$0x3FB1]  }
0x2c: {  	s7 =	sld [smem:$0x3FB2]  }
0x2d: {  	s3 =	simm.s32 $0x108;
	s8 =	sld [smem:$0x3FB3]  }
0x2e: {  	s3 =	simm.s32 @!p0 $0x1082;
	s9 =	sld [smem:$0x3FB4]  }
0x2f: {  	lr =	sadd.s32 s0, s3;
	s0 =	sld [smem:$0x3FAB]  }
0x30: {  	s3 =	sld [smem:$0x3FAE]  }
0x31: {  	[smem:$0x3FB7] =	sst s10  }
0x32: {  	s10 =	sld [smem:$0x3FB5];
	_ =	sdelay $0x3  }
0x33: {  	p0 =	seq.s32 s10, $0x1;
	s10 =	sld [smem:$0x3FB7];
	_ =	sdelay $0x3  }
0x34: {  	[smem:$0x3FB7] =	sst s10  }
0x35: {  	s10 =	sld [smem:$0x3FB6];
	_ =	sdelay $0x3  }
0x36: {  	p1 =	seq.s32 s10, $0x1;
	s10 =	sld [smem:$0x3FB7];
	_ =	sdelay $0x3  }
0x37: {  	[smem:$0x3FB7] =	sst s10  }
0x38: {  	s10 =	sld [smem:$0x3FB8]  }
0x39: {  	_ = 	snop;
	(pc) =	sbr.ind lr, $3  }
0x3a: {  	_ = 	snop  }
0x3b: {  	_ = 	snop  }
0x3c: {  	p2 =	seq.s32 s10, $0x1;
	s10 =	sld [smem:$0x3FB7]  }
0x3d: {  	_ =	shalt  }
0x3e: {  	_ =	shalt  }
0x3f: {  	_ =	shalt  }
0x40: {  	_ =	shalt  }
0x41: {  	_ =	shalt  }
0x42: {  	_ =	shalt  }
0x43: {  	_ =	shalt  }
0x44: {  	_ =	shalt  }
0x45: {  	_ =	shalt  }
0x46: {  	_ =	shalt  }
0x47: {  	_ =	shalt  }
0x48: {  	_ =	shalt  }
0x49: {  	_ =	shalt  }
0x4a: {  	_ =	shalt  }
0x4b: {  	_ =	shalt  }
0x4c: {  	_ =	shalt  }
0x4d: {  	_ =	shalt  }
0x4e: {  	_ =	shalt  }
0x4f: {  	_ =	shalt  }
0x50: {  	_ =	shalt  }
0x51: {  	_ =	shalt  }
0x52: {  	_ =	shalt  }
0x53: {  	_ =	shalt  }
0x54: {  	_ =	shalt  }
0x55: {  	_ =	shalt  }
0x56: {  	_ =	shalt  }
0x57: {  	_ =	shalt  }
0x58: {  	_ =	shalt  }
0x59: {  	_ =	shalt  }
0x5a: {  	_ =	shalt  }
0x5b: {  	_ =	shalt  }
0x5c: {  	_ =	shalt  }
0x5d: {  	_ =	shalt  }
0x5e: {  	_ =	shalt  }
0x5f: {  	_ =	shalt  }
0x60: {  	_ =	shalt  }
0x61: {  	_ =	shalt  }
0x62: {  	_ =	shalt  }
0x63: {  	_ =	shalt  }
0x64: {  	_ =	shalt  }
0x65: {  	_ =	shalt  }
0x66: {  	_ =	shalt  }
0x67: {  	_ =	shalt  }
0x68: {  	_ =	shalt  }
0x69: {  	_ =	shalt  }
0x6a: {  	_ =	shalt  }
0x6b: {  	_ =	shalt  }
0x6c: {  	_ =	shalt  }
0x6d: {  	_ =	shalt  }
0x6e: {  	_ =	shalt  }
0x6f: {  	_ =	shalt  }
0x70: {  	_ =	shalt  }
0x71: {  	_ =	shalt  }
0x72: {  	_ =	shalt  }
0x73: {  	_ =	shalt  }
0x74: {  	_ =	shalt  }
0x75: {  	_ =	shalt  }
0x76: {  	_ =	shalt  }
0x77: {  	_ =	shalt  }
0x78: {  	_ =	shalt  }
0x79: {  	_ =	shalt  }
0x7a: {  	_ =	shalt  }
0x7b: {  	_ =	shalt  }
0x7c: {  	_ =	shalt  }
0x7d: {  	_ =	shalt  }
0x7e: {  	_ =	shalt  }
0x7f: {  	_ =	shalt  }
0x80: {  	_ =	shalt  }
0x81: {  	_ =	shalt  }
0x82: {  	_ =	shalt  }
0x83: {  	_ =	shalt  }
0x84: {  	_ =	shalt  }
0x85: {  	_ =	shalt  }
0x86: {  	_ =	shalt  }
0x87: {  	_ =	shalt  }
.Lfunc_end0:
.L_simem_size_0:
called_computation.1_lowered:
.L_overlay_start_0:
0x88: {  	s2 =	sld [smem:$0x3FD9]  }
0x89: {  	s3 =	sld [smem:$0x3FFE];
	_ =	sdelay $0x1  }
0x8a: {  	s1 =	srdreg.scid  }
0x8b: {  	s0 =	sand.u32 $0x1, s1  }
0x8c: {  	s17 =	sshll.u32 s0, $0xA;
	s2 =	sadd.s32 s3, s2  }
0x8d: {  	s2 =	sadd.s32 s2, s17  }
0x8e: {  	[smem:$0x3FC3] =	sst s2  }
0x8f: {  	_ = 	snop  }
0x90: {  	s18 =	sld [smem:$0x3FD0];
	(tm) =	ssettm $0x1  }
0x91: {  	s19 =	sld [smem:$0x3FFB];
	_ =	sdelay $0x3  }
0x92: {  	_ =	strace s19  }
0x93: {  	s2 =	sld [smem:$0x3FFC];
	_ =	sdelay $0x3  }
0x94: {  	_ =	strace s2  }
0x95: {  	s2 =	sld [smem:$0x3FFD];
	_ =	sdelay $0x3  }
0x96: {  	_ =	strace s2  }
0x97: {  	_ =	strace $0x8FFFFFFF  }
0x98: {  	s20 =	sld [smem:$0x3FDB];
	_ =	sdelay $0x1  }
0x99: {  	s4 =	simm.s32 $_scs_section_size  }
0x9a: {  	s5 =	simm.s32 $_size__tile_overlayer_lowered;
	s6 =	simm.s32 $_tile_overlayer_lowered  }
0x9b: {  	s7 =	simm.s32 $0x1BFF;
	s21 =	sshll.u32 s6, $0x1;
	s4 =	sadd.s32 s4, s20  }
0x9c: {  	s22 =	simm.s32 $0x0;
	s5 =	sshll.u32 s5, $0x1;
	s6 =	sadd.s32 s21, s4  }
0x9d: {  	[timem:s22], [sflag:s7] =	dma.local [hbm:s6], s5  }
0x9e: {  	_ =	swait.ge [sflag:s7], s5  }
0x9f: {  	s5 =	ssub.s32 $0x0, s5;
	[sflag:s7] =	ssyncset.done $0x0  }
0xa0: {  	[sflag:s7] =	ssyncadd.s32 s5;
	_ =	sdelay $0x1  }
0xa1: {  	s23 =	simm.s32 $0x1B8B  }
0xa2: {  	_ =	swait.ge [sflag:s23], $0x1  }
0xa3: {  	[sflag:s23] =	ssyncset.done $0x0  }
0xa4: {  	[sflag:s23] =	ssyncadd.s32 $0xFFFFFFFF  }
0xa5: {  	s5 =	sld [smem:$0x0]  }
0xa6: {  	s6 =	sand.u32 $0xFFFFFFFE, s1  }
0xa7: {  	p0 =	sne.s32 s1, s6  }
0xa8: {  	s6 =	sshll.u32 @p0 s6, $0xE  }
0xa9: {  	s6 =	sadd.s32 @p0 $0x11B8D, s6;
	s7 =	sshll.u32 @p0 s5, $0x11  }
0xaa: {  	s6 =	sor.u32 @p0 s7, s6  }
0xab: {  	[sflag:s6] =	ssyncadd.remote.s32 @p0 $0x1;
	_ =	sdelay $0x1  }
0xac: {  	s6 =	simm.s32 @p0 $0x1B8D  }
0xad: {  	_ =	swait.eq @p0 [sflag:s6], $0x1  }
0xae: {  	[sflag:s6] =	ssyncadd.s32 @p0 $0xFFFFFFFF  }
0xaf: {  	s7 =	sshll.u32 @!p0 s1, $0xE  }
0xb0: {  	s7 =	sor.u32 @!p0 $0x4000, s7;
	s6 =	simm.s32 @!p0 $0x1B8D  }
0xb1: {  	s5 =	sshll.u32 @!p0 s5, $0x11;
	s7 =	sadd.s32 @!p0 $0x11B8D, s7;
	_ =	swait.eq @!p0 [sflag:s6], $0x1  }
0xb2: {  	s5 =	sor.u32 @!p0 s5, s7;
	[sflag:s6] =	ssyncadd.s32 @!p0 $0xFFFFFFFF  }
0xb3: {  	s25 =	simm.s32 $0x1B8E;
	s24 =	sld [smem:$0x3FFE];
	[sflag:s5] =	ssyncadd.remote.s32 @!p0 $0x1  }
0xb4: {  	s26 =	simm.s32 $execute0_lowered;
	[smem:$0x3FD2] =	sst s25  }
0xb5: {  	s6 =	sshll.u32 s26, $0x1;
	_ =	strace $0x8000004C;
	[dreg:$0x1] =	wrdreg $0xFFFFFFFF  }
0xb6: {  	s28 =	simm.s32 $_size_execute0_lowered;
	s4 =	sadd.s32 s4, s6;
	[dreg:$0x0] =	wrdreg $0x0  }
0xb7: {  	s6 =	sshll.u32 s28, $0x1;
	[dreg:$0x2] =	wrdreg s4  }
0xb8: {  	[dreg:$0x3] =	wrdreg s6  }
0xb9: {  	[dreg:$0x4] =	wrdreg $0xC0  }
0xba: {  	_ =	task [dreg:s22], $0x5FFFF  }
0xbb: {  	[dreg:$0x1] =	wrdreg $0xFFFFFFFF  }
0xbc: {  	[dreg:$0x0] =	wrdreg $0x60  }
0xbd: {  	[dreg:$0x2] =	wrdreg s24  }
0xbe: {  	[dreg:$0x3] =	wrdreg s18  }
0xbf: {  	[dreg:$0x4] =	wrdreg $0x9  }
0xc0: {  	_ =	task.clear_ibuf [dreg:s22], $0x5FFFF;
	_ =	strace $0x9000004C  }
0xc1: {  	s29 =	simm.s32 $0x9;
	_ =	strace $0x8000004E  }
0xc2: {  	_ =	swait.ge [sflag:s29], $0x1  }
0xc3: {  	[sflag:s29] =	ssyncadd.s32 $0xFFFFFFFF  }
0xc4: {  	_ =	strace $0x9000004E  }
0xc5: {  	_ =	sfence  }
0xc6: {  	s30 =	sld [smem:$0x0];
	_ =	sdelay $0x2  }
0xc7: {  	s31 =	sshll.u32 s1, $0xD;
	s1 =	sshrl.u32 s1, $0x2  }
0xc8: {  	s4 =	sand.u32 $0x4000, s31;
	s1 =	sadd.s32 s1, s30  }
0xc9: {  	s0 =	sor.u32 s4, s0;
	s1 =	sshll.u32 s1, $0x11  }
0xca: {  	s0 =	sor.u32 s1, s0  }
0xcb: {  	s0 =	sadd.s32 $0x8F2B, s0  }
0xcc: {  	[sflag:s0] =	ssyncadd.remote.s32 $0x1  }
0xcd: {  	_ =	sfence.sel $0xFFFF  }
0xce: {  	[dreg:$0x0] =	wrdreg $0xFFFFFFFF;
	(pc) =	sbr.abs _section_cstart, $3  }
0xcf: {  	[dreg:$0x1] =	wrdreg $0xFFFFFFFF  }
0xd0: {  	_ =	task.clear_ibuf [dreg:s22], $0x2FFFF;
	_ =	strace $0x9FFFFFFF  }
0xd1: {  	(tm) =	ssettm $0x7FFFFFFF  }
tec
execute0_lowered:
.L_overlay_start_1:
0x0: {  	(tag) =	ssettag $0x1  }
0x1: {  	s0 =	srdreg.scid  }
0x2: {  	s12 =	sand.u32 $0x1, s0  }
0x3: {  	s0 =	stileid.u32;
	s1 =	sshll.u32 s12, $0x4  }
0x4: {  	s8 =	rddreg [dreg:$0x0];
	s9 =	sor.u32 s0, s1  }
0x5: {  	s11 =	rddreg [dreg:$0x1];
	s2 =	simm.s32 $0x0;
	s13 =	smul.u32 $0x180, s9  }
0x6: {  	[smem:$0x7FF] =	sst s2  }
0x7: {  	s1 =	rddreg [dreg:$0x2];
	s3 =	sshrl.u32 s13, $0x3  }
0x8: {  	_ =	strace $0x8000004D;
	s4 =	sadd.s32 s11, s3;
	s3 =	simm.s32 $0x2  }
0x9: {  	[tilespmem:s2], [sflag:$0x2] =	stream.linear.gather [hbm4b:s4+s2], $0x80, $0x38;
	[tilespmem:$0x4080] =	vst v63  }
0xa: {  	_ =	swait.ge [sflag:s3], $0x80  }
0xb: {  	s6 =	simm.s32 $0x80;
	[sflag:s3] =	ssyncset.done $0x0  }
0xc: {  	s7 =	simm.s32 $0x1;
	s5 =	sadd.s32 $0x56B800, s8;
	[sflag:s3] =	ssyncadd.s32 $0xFFFFFF80  }
0xd: {  	[tilespmem:s6], [sflag:$0x1] =	stream.indirect.gather [hbm4b:s5+s6], $0x80, s2, s6, $0xb8;
	[tilespmem:$0x4080] =	vst v63  }
0xe: {  	s9 =	smul.u32 $0x1800, s9;
	_ =	swait.ge [sflag:s7], $0x4000  }
0xf: {  	s14 =	sadd.s32 $0xAB200, s8;
	[sflag:s7] =	ssyncset.done $0x0  }
0x10: {  	s8 =	sadd.s32 s14, s9;
	[sflag:s7] =	ssyncadd.s32 $0xFFFFC000  }
0x11: {  	[hbm4b:s8+s2] =	stream.linear.scatter [tilespmem:s6], [sflag:$0x2], $0x4000, $0x38;
	[tilespmem:$0x4080] =	vst v63  }
0x12: {  	s10 =	sadd.s32 $0x80, s13;
	_ =	swait.ge [sflag:s3], $0x4000  }
0x13: {  	s28 =	sshrl.u32 s10, $0x3;
	[sflag:s3] =	ssyncset.done $0x0  }
0x14: {  	s9 =	sadd.s32 s11, s28;
	[sflag:s3] =	ssyncadd.s32 $0xFFFFC000  }
0x15: {  	[tilespmem:s2], [sflag:$0x2] =	stream.linear.gather [hbm4b:s9+s2], $0x80, $0x38;
	[tilespmem:$0x4080] =	vst v63  }
0x16: {  	_ =	swait.ge [sflag:s3], $0x80  }
0x17: {  	[sflag:s3] =	ssyncset.done $0x0  }
0x18: {  	[sflag:s3] =	ssyncadd.s32 $0xFFFFFF80  }
0x19: {  	[tilespmem:s6], [sflag:$0x1] =	stream.indirect.gather [hbm4b:s5+s6], $0x80, s2, s6, $0xb8;
	[tilespmem:$0x4080] =	vst v63  }
0x1a: {  	_ =	swait.ge [sflag:s7], $0x4000  }
0x1b: {  	s10 =	sshll.u32 s10, $0x4;
	[sflag:s7] =	ssyncset.done $0x0  }
0x1c: {  	s10 =	sadd.s32 s14, s10;
	[sflag:s7] =	ssyncadd.s32 $0xFFFFC000  }
0x1d: {  	[hbm4b:s10+s2] =	stream.linear.scatter [tilespmem:s6], [sflag:$0x2], $0x4000, $0x38;
	[tilespmem:$0x4080] =	vst v63  }
0x1e: {  	s13 =	sadd.s32 $0x100, s13;
	_ =	swait.ge [sflag:s3], $0x4000  }
0x1f: {  	s15 =	sshrl.u32 s13, $0x3;
	[sflag:s3] =	ssyncset.done $0x0  }
0x20: {  	s12 =	ssub.s32 $0x2, s12;
	s11 =	sadd.s32 s11, s15;
	[sflag:s3] =	ssyncadd.s32 $0xFFFFC000  }
0x21: {  	[tilespmem:s2], [sflag:$0x2] =	stream.linear.gather [hbm4b:s11+s2], $0x80, $0x38;
	[tilespmem:$0x4080] =	vst v63  }
0x22: {  	s29 =	sshrl.u32 s12, $0x1;
	_ =	swait.ge [sflag:s3], $0x80  }
0x23: {  	s15 =	ssub.s32 s12, s29;
	[sflag:s3] =	ssyncset.done $0x0  }
0x24: {  	s31 =	smax.u32 s15, $0x1;
	[sflag:s3] =	ssyncadd.s32 $0xFFFFFF80  }
0x25: {  	[tilespmem:s6], [sflag:$0x1] =	stream.indirect.gather [hbm4b:s5+s6], $0x80, s2, s6, $0xb8;
	[tilespmem:$0x4080] =	vst v63  }
0x26: {  	p0 =	sne.s32 s31, $0x1;
	_ =	swait.ge [sflag:s7], $0x4000  }
.Ltmp0:
0x27: {  	s30 =	sshll.u32 s13, $0x4;
	[sflag:s7] =	ssyncset.done $0x0;
	(pc) =	sbr.rel @!p0 .LBB2_2-.Ltmp0, $4  }
0x28: {  	s12 =	sadd.s32 s14, s30;
	[sflag:s7] =	ssyncadd.s32 $0xFFFFC000  }
0x29: {  	[hbm4b:s12+s2] =	stream.linear.scatter [tilespmem:s6], [sflag:$0x2], $0x4000, $0x38;
	[tilespmem:$0x4080] =	vst v63  }
0x2a: {  	_ =	swait.ge [sflag:s3], $0x4000  }
0x2b: {  	s13 =	sadd.s32 $0xFFFFFFFF, s31;
	[sflag:s3] =	ssyncset.done $0x0  }
.LBB2_1:
0x2c: {  	p0 =	sne.s32 s13, $0x1;
	s13 =	sadd.s32 $0xFFFFFFFF, s13;
	[sflag:s3] =	ssyncadd.s32 $0xFFFFC000  }
0x2d: {  	[tilespmem:s2], [sflag:$0x2] =	stream.linear.gather [hbm4b:s4+s2], $0x80, $0x38;
	[tilespmem:$0x4080] =	vst v63  }
0x2e: {  	_ =	swait.ge [sflag:s3], $0x80  }
0x2f: {  	[sflag:s3] =	ssyncset.done $0x0  }
0x30: {  	[sflag:s3] =	ssyncadd.s32 $0xFFFFFF80  }
0x31: {  	[tilespmem:s6], [sflag:$0x1] =	stream.indirect.gather [hbm4b:s5+s6], $0x80, s2, s6, $0xb8;
	[tilespmem:$0x4080] =	vst v63  }
0x32: {  	_ =	swait.ge [sflag:s7], $0x4000  }
0x33: {  	[sflag:s7] =	ssyncset.done $0x0  }
0x34: {  	[sflag:s7] =	ssyncadd.s32 $0xFFFFC000  }
0x35: {  	[hbm4b:s8+s2] =	stream.linear.scatter [tilespmem:s6], [sflag:$0x2], $0x4000, $0x38;
	[tilespmem:$0x4080] =	vst v63  }
0x36: {  	_ =	swait.ge [sflag:s3], $0x4000  }
0x37: {  	[sflag:s3] =	ssyncset.done $0x0  }
0x38: {  	[sflag:s3] =	ssyncadd.s32 $0xFFFFC000  }
0x39: {  	[tilespmem:s2], [sflag:$0x2] =	stream.linear.gather [hbm4b:s9+s2], $0x80, $0x38;
	[tilespmem:$0x4080] =	vst v63  }
0x3a: {  	_ =	swait.ge [sflag:s3], $0x80  }
0x3b: {  	[sflag:s3] =	ssyncset.done $0x0  }
0x3c: {  	[sflag:s3] =	ssyncadd.s32 $0xFFFFFF80  }
0x3d: {  	[tilespmem:s6], [sflag:$0x1] =	stream.indirect.gather [hbm4b:s5+s6], $0x80, s2, s6, $0xb8;
	[tilespmem:$0x4080] =	vst v63  }
0x3e: {  	_ =	swait.ge [sflag:s7], $0x4000  }
0x3f: {  	[sflag:s7] =	ssyncset.done $0x0  }
0x40: {  	[sflag:s7] =	ssyncadd.s32 $0xFFFFC000  }
0x41: {  	[hbm4b:s10+s2] =	stream.linear.scatter [tilespmem:s6], [sflag:$0x2], $0x4000, $0x38;
	[tilespmem:$0x4080] =	vst v63  }
0x42: {  	_ =	swait.ge [sflag:s3], $0x4000  }
0x43: {  	[sflag:s3] =	ssyncset.done $0x0  }
0x44: {  	[sflag:s3] =	ssyncadd.s32 $0xFFFFC000  }
0x45: {  	[tilespmem:s2], [sflag:$0x2] =	stream.linear.gather [hbm4b:s11+s2], $0x80, $0x38;
	[tilespmem:$0x4080] =	vst v63  }
0x46: {  	_ =	swait.ge [sflag:s3], $0x80  }
0x47: {  	[sflag:s3] =	ssyncset.done $0x0  }
0x48: {  	[sflag:s3] =	ssyncadd.s32 $0xFFFFFF80  }
0x49: {  	[tilespmem:s6], [sflag:$0x1] =	stream.indirect.gather [hbm4b:s5+s6], $0x80, s2, s6, $0xb8;
	[tilespmem:$0x4080] =	vst v63  }
0x4a: {  	_ =	swait.ge [sflag:s7], $0x4000  }
.Ltmp1:
0x4b: {  	[sflag:s7] =	ssyncset.done $0x0;
	(pc) =	sbr.rel @p0 .LBB2_1-.Ltmp1, $4  }
0x4c: {  	[sflag:s7] =	ssyncadd.s32 $0xFFFFC000  }
0x4d: {  	[hbm4b:s12+s2] =	stream.linear.scatter [tilespmem:s6], [sflag:$0x2], $0x4000, $0x38;
	[tilespmem:$0x4080] =	vst v63  }
0x4e: {  	_ =	swait.ge [sflag:s3], $0x4000  }
0x4f: {  	[sflag:s3] =	ssyncset.done $0x0  }
.LBB2_2:
0x50: {  	[sflag:s3] =	ssyncadd.s32 $0xFFFFC000  }
0x51: {  	_ =	sfence.sel $0x180000  }
0x52: {  	[bflag:$0x0] =	sbarrier.arrive $0xFFFF  }
0x53: {  	p0 =	sne.s32 s0, $0x0;
	_ =	strace $0x9000004D  }
0x54: {  	s0 =	sadd.s32 @!p0 $0x100000, s1;
	[bflag:$0x2] =	sbarrier.arrive $0xFFFF  }
0x55: {  	[sflag:s0] =	ssyncadd.tile.s32 @!p0 $0x1;
	_ =	shalt  }
.Lfunc_end2:
_tile_overlayer_lowered:
.L_overlay_start_2:
0x56: {  	(tag) =	ssettag $0x2  }
0x57: {  	s0 =	rddreg [dreg:$0x0];
	s2 =	stileid.u32  }
0x58: {  	s1 =	rddreg [dreg:$0x1];
	p0 =	sne.s32 s2, $0x0  }
0x59: {  	s3 =	rddreg [dreg:$0x2];
	[bflag:$0x3] =	sbarrier.arrive $0xFFFF;
	s2 =	simm.s32 @!p0 $0x1C02  }
0x5a: {  	[timem:s3], [sflag:s2] =	dma.local @!p0 [hbm:s0], s1  }
0x5b: {  	s0 =	simm.s32 @!p0 $0x2  }
0x5c: {  	_ =	swait.ge @!p0 [sflag:s0], s1  }
0x5d: {  	s1 =	ssub.s32 @!p0 $0x0, s1;
	[sflag:s0] =	ssyncset.done @!p0 $0x0  }
0x5e: {  	[sflag:s0] =	ssyncadd.s32 @!p0 s1  }
0x5f: {  	[bflag:$0x3] =	sbarrier.arrive $0xFFFF  }
0x60: {  	_ =	shalt  }

// kernel: kernel.14.cloned.1.call-start
scs
__scs_entry_jumppad:
0x0: {  	(pc) =	sbr.rel $0x88, $3  }
0x1: {  	(tag) =	ssettag $0x0;
	lr =	simm.s32 $0x1  }
0x2: {  	[smem:$0x3F9C] =	sst lr;
	_ =	strace $0xD0000000  }
0x3: {  	_ = 	snop  }
0x4: {  	_ = 	snop  }
0x5: {  	_ = 	snop  }
0x6: {  	_ = 	snop  }
0x7: {  	_ = 	snop  }
__scs_overlays_trampoline_lowered:
0x8: {  	[smem:$0x3FAB] =	sst s0  }
0x9: {  	[smem:$0x3FAC] =	sst s1  }
0xa: {  	[smem:$0x3FAD] =	sst s2  }
0xb: {  	[smem:$0x3FAE] =	sst s3  }
0xc: {  	[smem:$0x3FAF] =	sst s4  }
0xd: {  	[smem:$0x3FB0] =	sst s5  }
0xe: {  	[smem:$0x3FB1] =	sst s6  }
0xf: {  	[smem:$0x3FB2] =	sst s7  }
0x10: {  	[smem:$0x3FB3] =	sst s8  }
0x11: {  	[smem:$0x3FB4] =	sst s9;
	s0 =	simm.s32 @!p0 $0x0  }
0x12: {  	s1 =	sld [smem:$0x3F9A];
	s0 =	simm.s32 @p0 $0x1  }
0x13: {  	[smem:$0x3FB5] =	sst s0;
	s0 =	simm.s32 @!p1 $0x0  }
0x14: {  	s2 =	sld [smem:$0x3F99];
	s0 =	simm.s32 @p1 $0x1  }
0x15: {  	[smem:$0x3FB6] =	sst s0;
	s0 =	simm.s32 @!p2 $0x0  }
0x16: {  	s3 =	sld [smem:$0x3FDB];
	s0 =	simm.s32 @p2 $0x1  }
0x17: {  	s4 =	simm.s32 $0x1BF5;
	[smem:$0x3FB8] =	sst s0  }
0x18: {  	s0 =	sld [smem:$0x3F9B];
	_ =	swait.ge [sflag:s4], $0x0  }
0x19: {  	s7 =	sld [smem:$0x3F9C]  }
0x1a: {  	s8 =	sadd.s32 $0xFFFFE003, lr  }
0x1b: {  	s9 =	sadd.s32 $0xFFFFFEF7, lr;
	s5 =	simm.s32 $0xFFFFFFFF;
	p2 =	slt.u32 s8, $0xFFFFF086  }
0x1c: {  	p1 =	slt.u32 s9, $0xF7A;
	s5 =	simm.s32 @!p2 $0x0  }
0x1d: {  	s5 =	simm.s32 @p1 $0x1;
	p0 =	seq.s32 s7, s2  }
0x1e: {  	s7 =	smul.u32 @!p0 $0xF7A, s2;
	p2 =	seq.s32 @!p0 s5, $0x0  }
0x1f: {  	s9 =	smul.u32 $0xF7A, s1;
	s8 =	simm.s32 @!p0 $0x1BF5;
	p2 =	por !p2, p0  }
0x20: {  	[sflag:s8] =	ssyncset.s32 @!p0 $0xFFFFF086;
	s6 =	sadd.s32 @!p0 s3, s7;
	s7 =	simm.s32 @!p0 $0x108  }
0x21: {  	s3 =	sadd.s32 s3, s9;
	s6 =	sadd.s32 @!p0 $0x88, s6;
	s7 =	simm.s32 @p2 $0x1082  }
0x22: {  	[simem:s7], [sflag:s8] =	dma.local @!p0 [hbm:s6], $0xF7A  }
0x23: {  	s9 =	sor.u32 $0xD0000000, s2;
	s6 =	simm.s32 $0x108;
	_ =	swait.ge @!p0 [sflag:s8], $0x0  }
0x24: {  	s3 =	sadd.s32 $0x88, s3;
	s6 =	simm.s32 @!p1 $0x1082;
	[sflag:s4] =	ssyncset.s32 $0xFFFFF086  }
0x25: {  	[simem:s6], [sflag:s4] =	dma.local [hbm:s3], $0xF7A  }
0x26: {  	[smem:$0x3F9C] =	sst s1;
	(tag) =	ssettag s2;
	_ =	strace s9  }
0x27: {  	s1 =	sld [smem:$0x3FAC]  }
0x28: {  	s2 =	sld [smem:$0x3FAD]  }
0x29: {  	s4 =	sld [smem:$0x3FAF]  }
0x2a: {  	p0 =	seq.s32 s5, $0x0;
	s5 =	sld [smem:$0x3FB0]  }
0x2b: {  	s6 =	sld [smem:$0x3FB1]  }
0x2c: {  	s7 =	sld [smem:$0x3FB2]  }
0x2d: {  	s3 =	simm.s32 $0x108;
	s8 =	sld [smem:$0x3FB3]  }
0x2e: {  	s3 =	simm.s32 @!p0 $0x1082;
	s9 =	sld [smem:$0x3FB4]  }
0x2f: {  	lr =	sadd.s32 s0, s3;
	s0 =	sld [smem:$0x3FAB]  }
0x30: {  	s3 =	sld [smem:$0x3FAE]  }
0x31: {  	[smem:$0x3FB7] =	sst s10  }
0x32: {  	s10 =	sld [smem:$0x3FB5];
	_ =	sdelay $0x3  }
0x33: {  	p0 =	seq.s32 s10, $0x1;
	s10 =	sld [smem:$0x3FB7];
	_ =	sdelay $0x3  }
0x34: {  	[smem:$0x3FB7] =	sst s10  }
0x35: {  	s10 =	sld [smem:$0x3FB6];
	_ =	sdelay $0x3  }
0x36: {  	p1 =	seq.s32 s10, $0x1;
	s10 =	sld [smem:$0x3FB7];
	_ =	sdelay $0x3  }
0x37: {  	[smem:$0x3FB7] =	sst s10  }
0x38: {  	s10 =	sld [smem:$0x3FB8]  }
0x39: {  	_ = 	snop;
	(pc) =	sbr.ind lr, $3  }
0x3a: {  	_ = 	snop  }
0x3b: {  	_ = 	snop  }
0x3c: {  	p2 =	seq.s32 s10, $0x1;
	s10 =	sld [smem:$0x3FB7]  }
0x3d: {  	_ =	shalt  }
0x3e: {  	_ =	shalt  }
0x3f: {  	_ =	shalt  }
0x40: {  	_ =	shalt  }
0x41: {  	_ =	shalt  }
0x42: {  	_ =	shalt  }
0x43: {  	_ =	shalt  }
0x44: {  	_ =	shalt  }
0x45: {  	_ =	shalt  }
0x46: {  	_ =	shalt  }
0x47: {  	_ =	shalt  }
0x48: {  	_ =	shalt  }
0x49: {  	_ =	shalt  }
0x4a: {  	_ =	shalt  }
0x4b: {  	_ =	shalt  }
0x4c: {  	_ =	shalt  }
0x4d: {  	_ =	shalt  }
0x4e: {  	_ =	shalt  }
0x4f: {  	_ =	shalt  }
0x50: {  	_ =	shalt  }
0x51: {  	_ =	shalt  }
0x52: {  	_ =	shalt  }
0x53: {  	_ =	shalt  }
0x54: {  	_ =	shalt  }
0x55: {  	_ =	shalt  }
0x56: {  	_ =	shalt  }
0x57: {  	_ =	shalt  }
0x58: {  	_ =	shalt  }
0x59: {  	_ =	shalt  }
0x5a: {  	_ =	shalt  }
0x5b: {  	_ =	shalt  }
0x5c: {  	_ =	shalt  }
0x5d: {  	_ =	shalt  }
0x5e: {  	_ =	shalt  }
0x5f: {  	_ =	shalt  }
0x60: {  	_ =	shalt  }
0x61: {  	_ =	shalt  }
0x62: {  	_ =	shalt  }
0x63: {  	_ =	shalt  }
0x64: {  	_ =	shalt  }
0x65: {  	_ =	shalt  }
0x66: {  	_ =	shalt  }
0x67: {  	_ =	shalt  }
0x68: {  	_ =	shalt  }
0x69: {  	_ =	shalt  }
0x6a: {  	_ =	shalt  }
0x6b: {  	_ =	shalt  }
0x6c: {  	_ =	shalt  }
0x6d: {  	_ =	shalt  }
0x6e: {  	_ =	shalt  }
0x6f: {  	_ =	shalt  }
0x70: {  	_ =	shalt  }
0x71: {  	_ =	shalt  }
0x72: {  	_ =	shalt  }
0x73: {  	_ =	shalt  }
0x74: {  	_ =	shalt  }
0x75: {  	_ =	shalt  }
0x76: {  	_ =	shalt  }
0x77: {  	_ =	shalt  }
0x78: {  	_ =	shalt  }
0x79: {  	_ =	shalt  }
0x7a: {  	_ =	shalt  }
0x7b: {  	_ =	shalt  }
0x7c: {  	_ =	shalt  }
0x7d: {  	_ =	shalt  }
0x7e: {  	_ =	shalt  }
0x7f: {  	_ =	shalt  }
0x80: {  	_ =	shalt  }
0x81: {  	_ =	shalt  }
0x82: {  	_ =	shalt  }
0x83: {  	_ =	shalt  }
0x84: {  	_ =	shalt  }
0x85: {  	_ =	shalt  }
0x86: {  	_ =	shalt  }
0x87: {  	_ =	shalt  }
.Lfunc_end0:
.L_simem_size_0:
called_computation.2_lowered:
.L_overlay_start_0:
0x88: {  	s2 =	sld [smem:$0x3FD9]  }
0x89: {  	s3 =	sld [smem:$0x3FFE];
	_ =	sdelay $0x1  }
0x8a: {  	s1 =	srdreg.scid  }
0x8b: {  	s0 =	sand.u32 $0x1, s1  }
0x8c: {  	s16 =	sshll.u32 s0, $0xA;
	s2 =	sadd.s32 s3, s2  }
0x8d: {  	s2 =	sadd.s32 s2, s16  }
0x8e: {  	[smem:$0x3FC3] =	sst s2  }
0x8f: {  	_ = 	snop  }
0x90: {  	(tm) =	ssettm $0x1  }
0x91: {  	s17 =	sld [smem:$0x3FFB];
	_ =	sdelay $0x3  }
0x92: {  	_ =	strace s17  }
0x93: {  	s2 =	sld [smem:$0x3FFC];
	_ =	sdelay $0x3  }
0x94: {  	_ =	strace s2  }
0x95: {  	s2 =	sld [smem:$0x3FFD];
	_ =	sdelay $0x3  }
0x96: {  	_ =	strace s2  }
0x97: {  	_ =	strace $0x8FFFFFFF  }
0x98: {  	s18 =	sld [smem:$0x3FDB];
	_ =	sdelay $0x1  }
0x99: {  	s19 =	simm.s32 $_scs_section_size  }
0x9a: {  	s4 =	simm.s32 $_size__tile_overlayer_lowered;
	s5 =	simm.s32 $_tile_overlayer_lowered  }
0x9b: {  	s22 =	simm.s32 $0x1BFF;
	s21 =	sshll.u32 s5, $0x1;
	s2 =	sadd.s32 s19, s18  }
0x9c: {  	s6 =	simm.s32 $0x0;
	s20 =	sshll.u32 s4, $0x1;
	s4 =	sadd.s32 s21, s2  }
0x9d: {  	[timem:s6], [sflag:s22] =	dma.local [hbm:s4], s20  }
0x9e: {  	_ =	swait.ge [sflag:s22], s20  }
0x9f: {  	s3 =	ssub.s32 $0x0, s20;
	[sflag:s22] =	ssyncset.done $0x0  }
0xa0: {  	[sflag:s22] =	ssyncadd.s32 s3;
	_ =	sdelay $0x1  }
0xa1: {  	s23 =	simm.s32 $0x1B8B  }
0xa2: {  	_ =	swait.ge [sflag:s23], $0x1  }
0xa3: {  	[sflag:s23] =	ssyncset.done $0x0  }
0xa4: {  	s25 =	simm.s32 $0x1B8E;
	s24 =	sld [smem:$0x3FFE];
	[sflag:s23] =	ssyncadd.s32 $0xFFFFFFFF  }
0xa5: {  	s26 =	simm.s32 $execute0_lowered;
	[smem:$0x3FD2] =	sst s25  }
0xa6: {  	s4 =	sshll.u32 s26, $0x1;
	_ =	strace $0x80000049;
	[dreg:$0x1] =	wrdreg $0xFFFFFFFF  }
0xa7: {  	s28 =	simm.s32 $_size_execute0_lowered;
	s2 =	sadd.s32 s2, s4;
	[dreg:$0x0] =	wrdreg $0x0  }
0xa8: {  	s4 =	sshll.u32 s28, $0x1;
	[dreg:$0x2] =	wrdreg s2  }
0xa9: {  	[dreg:$0x3] =	wrdreg s4  }
0xaa: {  	[dreg:$0x4] =	wrdreg $0xC0  }
0xab: {  	_ =	task [dreg:s6], $0x5FFFF  }
0xac: {  	[dreg:$0x1] =	wrdreg $0xFFFFFFFF  }
0xad: {  	[dreg:$0x0] =	wrdreg $0x60  }
0xae: {  	[dreg:$0x2] =	wrdreg s24  }
0xaf: {  	[dreg:$0x3] =	wrdreg $0xA  }
0xb0: {  	_ =	task.clear_ibuf [dreg:s6], $0x4FFFF;
	_ =	strace $0x90000049  }
0xb1: {  	s29 =	simm.s32 $0xA;
	_ =	strace $0x8000004B  }
0xb2: {  	_ =	swait.ge [sflag:s29], $0x1  }
0xb3: {  	[sflag:s29] =	ssyncadd.s32 $0xFFFFFFFF  }
0xb4: {  	_ =	strace $0x9000004B  }
0xb5: {  	_ =	sfence  }
0xb6: {  	s30 =	sld [smem:$0x0];
	_ =	sdelay $0x2  }
0xb7: {  	s31 =	sshll.u32 s1, $0xD;
	s1 =	sshrl.u32 s1, $0x2  }
0xb8: {  	s3 =	sand.u32 $0x4000, s31;
	s1 =	sadd.s32 s1, s30  }
0xb9: {  	s0 =	sor.u32 s3, s0;
	s1 =	sshll.u32 s1, $0x11  }
0xba: {  	s0 =	sor.u32 s1, s0  }
0xbb: {  	s0 =	sadd.s32 $0x8F2B, s0  }
0xbc: {  	[sflag:s0] =	ssyncadd.remote.s32 $0x1  }
0xbd: {  	_ =	sfence.sel $0xFFFF  }
0xbe: {  	[dreg:$0x0] =	wrdreg $0xFFFFFFFF;
	(pc) =	sbr.abs _section_cstart, $3  }
0xbf: {  	[dreg:$0x1] =	wrdreg $0xFFFFFFFF  }
0xc0: {  	_ =	task.clear_ibuf [dreg:s6], $0x2FFFF;
	_ =	strace $0x9FFFFFFF  }
0xc1: {  	(tm) =	ssettm $0x7FFFFFFF  }
tec
execute0_lowered:
.L_overlay_start_1:
0x0: {  	(tag) =	ssettag $0x1  }
0x1: {  	s0 =	srdreg.scid  }
0x2: {  	s12 =	sand.u32 $0x1, s0  }
0x3: {  	s0 =	stileid.u32;
	s1 =	sshll.u32 s12, $0x4  }
0x4: {  	s8 =	sor.u32 s0, s1  }
0x5: {  	s9 =	rddreg [dreg:$0x0];
	s2 =	simm.s32 $0x0;
	s11 =	smul.u32 $0x180, s8  }
0x6: {  	[smem:$0x7FF] =	sst s2  }
0x7: {  	s13 =	sadd.s32 $0x56B200, s9;
	s1 =	rddreg [dreg:$0x1];
	s3 =	sshrl.u32 s11, $0x3  }
0x8: {  	_ =	strace $0x8000004A;
	s4 =	sadd.s32 s13, s3;
	s3 =	simm.s32 $0x2  }
0x9: {  	[tilespmem:s2], [sflag:$0x2] =	stream.linear.gather [hbm4b:s4+s2], $0x80, $0x38;
	[tilespmem:$0x4080] =	vst v63  }
0xa: {  	_ =	swait.ge [sflag:s3], $0x80  }
0xb: {  	s6 =	simm.s32 $0x80;
	[sflag:s3] =	ssyncset.done $0x0  }
0xc: {  	s7 =	simm.s32 $0x1;
	s5 =	sadd.s32 $0x56B800, s9;
	[sflag:s3] =	ssyncadd.s32 $0xFFFFFF80  }
0xd: {  	[tilespmem:s6], [sflag:$0x1] =	stream.indirect.gather [hbm4b:s5+s6], $0x80, s2, s6, $0xb8;
	[tilespmem:$0x4080] =	vst v63  }
0xe: {  	s8 =	smul.u32 $0x1800, s8;
	_ =	swait.ge [sflag:s7], $0x4000  }
0xf: {  	s14 =	sadd.s32 $0x7B200, s9;
	[sflag:s7] =	ssyncset.done $0x0  }
0x10: {  	s8 =	sadd.s32 s14, s8;
	[sflag:s7] =	ssyncadd.s32 $0xFFFFC000  }
0x11: {  	[hbm4b:s8+s2] =	stream.linear.scatter [tilespmem:s6], [sflag:$0x2], $0x4000, $0x38;
	[tilespmem:$0x4080] =	vst v63  }
0x12: {  	s10 =	sadd.s32 $0x80, s11;
	_ =	swait.ge [sflag:s3], $0x4000  }
0x13: {  	s29 =	sshrl.u32 s10, $0x3;
	[sflag:s3] =	ssyncset.done $0x0  }
0x14: {  	s9 =	sadd.s32 s13, s29;
	[sflag:s3] =	ssyncadd.s32 $0xFFFFC000  }
0x15: {  	[tilespmem:s2], [sflag:$0x2] =	stream.linear.gather [hbm4b:s9+s2], $0x80, $0x38;
	[tilespmem:$0x4080] =	vst v63  }
0x16: {  	_ =	swait.ge [sflag:s3], $0x80  }
0x17: {  	[sflag:s3] =	ssyncset.done $0x0  }
0x18: {  	[sflag:s3] =	ssyncadd.s32 $0xFFFFFF80  }
0x19: {  	[tilespmem:s6], [sflag:$0x1] =	stream.indirect.gather [hbm4b:s5+s6], $0x80, s2, s6, $0xb8;
	[tilespmem:$0x4080] =	vst v63  }
0x1a: {  	_ =	swait.ge [sflag:s7], $0x4000  }
0x1b: {  	s10 =	sshll.u32 s10, $0x4;
	[sflag:s7] =	ssyncset.done $0x0  }
0x1c: {  	s10 =	sadd.s32 s14, s10;
	[sflag:s7] =	ssyncadd.s32 $0xFFFFC000  }
0x1d: {  	[hbm4b:s10+s2] =	stream.linear.scatter [tilespmem:s6], [sflag:$0x2], $0x4000, $0x38;
	[tilespmem:$0x4080] =	vst v63  }
0x1e: {  	s15 =	sadd.s32 $0x100, s11;
	_ =	swait.ge [sflag:s3], $0x4000  }
0x1f: {  	s11 =	sshrl.u32 s15, $0x3;
	[sflag:s3] =	ssyncset.done $0x0  }
0x20: {  	s12 =	ssub.s32 $0x2, s12;
	s11 =	sadd.s32 s13, s11;
	[sflag:s3] =	ssyncadd.s32 $0xFFFFC000  }
0x21: {  	[tilespmem:s2], [sflag:$0x2] =	stream.linear.gather [hbm4b:s11+s2], $0x80, $0x38;
	[tilespmem:$0x4080] =	vst v63  }
0x22: {  	s30 =	sshrl.u32 s12, $0x1;
	_ =	swait.ge [sflag:s3], $0x80  }
0x23: {  	s13 =	ssub.s32 s12, s30;
	[sflag:s3] =	ssyncset.done $0x0  }
0x24: {  	s13 =	smax.u32 s13, $0x1;
	[sflag:s3] =	ssyncadd.s32 $0xFFFFFF80  }
0x25: {  	[tilespmem:s6], [sflag:$0x1] =	stream.indirect.gather [hbm4b:s5+s6], $0x80, s2, s6, $0xb8;
	[tilespmem:$0x4080] =	vst v63  }
0x26: {  	p0 =	sne.s32 s13, $0x1;
	_ =	swait.ge [sflag:s7], $0x4000  }
.Ltmp0:
0x27: {  	s31 =	sshll.u32 s15, $0x4;
	[sflag:s7] =	ssyncset.done $0x0;
	(pc) =	sbr.rel @!p0 .LBB2_2-.Ltmp0, $4  }
0x28: {  	s12 =	sadd.s32 s14, s31;
	[sflag:s7] =	ssyncadd.s32 $0xFFFFC000  }
0x29: {  	[hbm4b:s12+s2] =	stream.linear.scatter [tilespmem:s6], [sflag:$0x2], $0x4000, $0x38;
	[tilespmem:$0x4080] =	vst v63  }
0x2a: {  	_ =	swait.ge [sflag:s3], $0x4000  }
0x2b: {  	s13 =	sadd.s32 $0xFFFFFFFF, s13;
	[sflag:s3] =	ssyncset.done $0x0  }
.LBB2_1:
0x2c: {  	p0 =	sne.s32 s13, $0x1;
	s13 =	sadd.s32 $0xFFFFFFFF, s13;
	[sflag:s3] =	ssyncadd.s32 $0xFFFFC000  }
0x2d: {  	[tilespmem:s2], [sflag:$0x2] =	stream.linear.gather [hbm4b:s4+s2], $0x80, $0x38;
	[tilespmem:$0x4080] =	vst v63  }
0x2e: {  	_ =	swait.ge [sflag:s3], $0x80  }
0x2f: {  	[sflag:s3] =	ssyncset.done $0x0  }
0x30: {  	[sflag:s3] =	ssyncadd.s32 $0xFFFFFF80  }
0x31: {  	[tilespmem:s6], [sflag:$0x1] =	stream.indirect.gather [hbm4b:s5+s6], $0x80, s2, s6, $0xb8;
	[tilespmem:$0x4080] =	vst v63  }
0x32: {  	_ =	swait.ge [sflag:s7], $0x4000  }
0x33: {  	[sflag:s7] =	ssyncset.done $0x0  }
0x34: {  	[sflag:s7] =	ssyncadd.s32 $0xFFFFC000  }
0x35: {  	[hbm4b:s8+s2] =	stream.linear.scatter [tilespmem:s6], [sflag:$0x2], $0x4000, $0x38;
	[tilespmem:$0x4080] =	vst v63  }
0x36: {  	_ =	swait.ge [sflag:s3], $0x4000  }
0x37: {  	[sflag:s3] =	ssyncset.done $0x0  }
0x38: {  	[sflag:s3] =	ssyncadd.s32 $0xFFFFC000  }
0x39: {  	[tilespmem:s2], [sflag:$0x2] =	stream.linear.gather [hbm4b:s9+s2], $0x80, $0x38;
	[tilespmem:$0x4080] =	vst v63  }
0x3a: {  	_ =	swait.ge [sflag:s3], $0x80  }
0x3b: {  	[sflag:s3] =	ssyncset.done $0x0  }
0x3c: {  	[sflag:s3] =	ssyncadd.s32 $0xFFFFFF80  }
0x3d: {  	[tilespmem:s6], [sflag:$0x1] =	stream.indirect.gather [hbm4b:s5+s6], $0x80, s2, s6, $0xb8;
	[tilespmem:$0x4080] =	vst v63  }
0x3e: {  	_ =	swait.ge [sflag:s7], $0x4000  }
0x3f: {  	[sflag:s7] =	ssyncset.done $0x0  }
0x40: {  	[sflag:s7] =	ssyncadd.s32 $0xFFFFC000  }
0x41: {  	[hbm4b:s10+s2] =	stream.linear.scatter [tilespmem:s6], [sflag:$0x2], $0x4000, $0x38;
	[tilespmem:$0x4080] =	vst v63  }
0x42: {  	_ =	swait.ge [sflag:s3], $0x4000  }
0x43: {  	[sflag:s3] =	ssyncset.done $0x0  }
0x44: {  	[sflag:s3] =	ssyncadd.s32 $0xFFFFC000  }
0x45: {  	[tilespmem:s2], [sflag:$0x2] =	stream.linear.gather [hbm4b:s11+s2], $0x80, $0x38;
	[tilespmem:$0x4080] =	vst v63  }
0x46: {  	_ =	swait.ge [sflag:s3], $0x80  }
0x47: {  	[sflag:s3] =	ssyncset.done $0x0  }
0x48: {  	[sflag:s3] =	ssyncadd.s32 $0xFFFFFF80  }
0x49: {  	[tilespmem:s6], [sflag:$0x1] =	stream.indirect.gather [hbm4b:s5+s6], $0x80, s2, s6, $0xb8;
	[tilespmem:$0x4080] =	vst v63  }
0x4a: {  	_ =	swait.ge [sflag:s7], $0x4000  }
.Ltmp1:
0x4b: {  	[sflag:s7] =	ssyncset.done $0x0;
	(pc) =	sbr.rel @p0 .LBB2_1-.Ltmp1, $4  }
0x4c: {  	[sflag:s7] =	ssyncadd.s32 $0xFFFFC000  }
0x4d: {  	[hbm4b:s12+s2] =	stream.linear.scatter [tilespmem:s6], [sflag:$0x2], $0x4000, $0x38;
	[tilespmem:$0x4080] =	vst v63  }
0x4e: {  	_ =	swait.ge [sflag:s3], $0x4000  }
0x4f: {  	[sflag:s3] =	ssyncset.done $0x0  }
.LBB2_2:
0x50: {  	[sflag:s3] =	ssyncadd.s32 $0xFFFFC000  }
0x51: {  	_ =	sfence.sel $0x180000  }
0x52: {  	[bflag:$0x0] =	sbarrier.arrive $0xFFFF  }
0x53: {  	p0 =	sne.s32 s0, $0x0;
	_ =	strace $0x9000004A  }
0x54: {  	s0 =	sadd.s32 @!p0 $0x100000, s1;
	[bflag:$0x2] =	sbarrier.arrive $0xFFFF  }
0x55: {  	[sflag:s0] =	ssyncadd.tile.s32 @!p0 $0x1;
	_ =	shalt  }
.Lfunc_end2:
_tile_overlayer_lowered:
.L_overlay_start_2:
0x56: {  	(tag) =	ssettag $0x2  }
0x57: {  	s0 =	rddreg [dreg:$0x0];
	s2 =	stileid.u32  }
0x58: {  	s1 =	rddreg [dreg:$0x1];
	p0 =	sne.s32 s2, $0x0  }
0x59: {  	s3 =	rddreg [dreg:$0x2];
	[bflag:$0x3] =	sbarrier.arrive $0xFFFF;
	s2 =	simm.s32 @!p0 $0x1C02  }
0x5a: {  	[timem:s3], [sflag:s2] =	dma.local @!p0 [hbm:s0], s1  }
0x5b: {  	s0 =	simm.s32 @!p0 $0x2  }
0x5c: {  	_ =	swait.ge @!p0 [sflag:s0], s1  }
0x5d: {  	s1 =	ssub.s32 @!p0 $0x0, s1;
	[sflag:s0] =	ssyncset.done @!p0 $0x0  }
0x5e: {  	[sflag:s0] =	ssyncadd.s32 @!p0 s1  }
0x5f: {  	[bflag:$0x3] =	sbarrier.arrive $0xFFFF  }
0x60: {  	_ =	shalt  }

// kernel: kernel.8.cloned.1.call-start
scs
__scs_entry_jumppad:
0x0: {  	(pc) =	sbr.rel $0x88, $3  }
0x1: {  	(tag) =	ssettag $0x0;
	lr =	simm.s32 $0x1  }
0x2: {  	[smem:$0x3F9C] =	sst lr;
	_ =	strace $0xD0000000  }
0x3: {  	_ = 	snop  }
0x4: {  	_ = 	snop  }
0x5: {  	_ = 	snop  }
0x6: {  	_ = 	snop  }
0x7: {  	_ = 	snop  }
__scs_overlays_trampoline_lowered:
0x8: {  	[smem:$0x3FAB] =	sst s0  }
0x9: {  	[smem:$0x3FAC] =	sst s1  }
0xa: {  	[smem:$0x3FAD] =	sst s2  }
0xb: {  	[smem:$0x3FAE] =	sst s3  }
0xc: {  	[smem:$0x3FAF] =	sst s4  }
0xd: {  	[smem:$0x3FB0] =	sst s5  }
0xe: {  	[smem:$0x3FB1] =	sst s6  }
0xf: {  	[smem:$0x3FB2] =	sst s7  }
0x10: {  	[smem:$0x3FB3] =	sst s8  }
0x11: {  	[smem:$0x3FB4] =	sst s9;
	s0 =	simm.s32 @!p0 $0x0  }
0x12: {  	s1 =	sld [smem:$0x3F9A];
	s0 =	simm.s32 @p0 $0x1  }
0x13: {  	[smem:$0x3FB5] =	sst s0;
	s0 =	simm.s32 @!p1 $0x0  }
0x14: {  	s2 =	sld [smem:$0x3F99];
	s0 =	simm.s32 @p1 $0x1  }
0x15: {  	[smem:$0x3FB6] =	sst s0;
	s0 =	simm.s32 @!p2 $0x0  }
0x16: {  	s3 =	sld [smem:$0x3FDB];
	s0 =	simm.s32 @p2 $0x1  }
0x17: {  	s4 =	simm.s32 $0x1BF5;
	[smem:$0x3FB8] =	sst s0  }
0x18: {  	s0 =	sld [smem:$0x3F9B];
	_ =	swait.ge [sflag:s4], $0x0  }
0x19: {  	s7 =	sld [smem:$0x3F9C]  }
0x1a: {  	s8 =	sadd.s32 $0xFFFFE003, lr  }
0x1b: {  	s9 =	sadd.s32 $0xFFFFFEF7, lr;
	s5 =	simm.s32 $0xFFFFFFFF;
	p2 =	slt.u32 s8, $0xFFFFF086  }
0x1c: {  	p1 =	slt.u32 s9, $0xF7A;
	s5 =	simm.s32 @!p2 $0x0  }
0x1d: {  	s5 =	simm.s32 @p1 $0x1;
	p0 =	seq.s32 s7, s2  }
0x1e: {  	s7 =	smul.u32 @!p0 $0xF7A, s2;
	p2 =	seq.s32 @!p0 s5, $0x0  }
0x1f: {  	s9 =	smul.u32 $0xF7A, s1;
	s8 =	simm.s32 @!p0 $0x1BF5;
	p2 =	por !p2, p0  }
0x20: {  	[sflag:s8] =	ssyncset.s32 @!p0 $0xFFFFF086;
	s6 =	sadd.s32 @!p0 s3, s7;
	s7 =	simm.s32 @!p0 $0x108  }
0x21: {  	s3 =	sadd.s32 s3, s9;
	s6 =	sadd.s32 @!p0 $0x88, s6;
	s7 =	simm.s32 @p2 $0x1082  }
0x22: {  	[simem:s7], [sflag:s8] =	dma.local @!p0 [hbm:s6], $0xF7A  }
0x23: {  	s9 =	sor.u32 $0xD0000000, s2;
	s6 =	simm.s32 $0x108;
	_ =	swait.ge @!p0 [sflag:s8], $0x0  }
0x24: {  	s3 =	sadd.s32 $0x88, s3;
	s6 =	simm.s32 @!p1 $0x1082;
	[sflag:s4] =	ssyncset.s32 $0xFFFFF086  }
0x25: {  	[simem:s6], [sflag:s4] =	dma.local [hbm:s3], $0xF7A  }
0x26: {  	[smem:$0x3F9C] =	sst s1;
	(tag) =	ssettag s2;
	_ =	strace s9  }
0x27: {  	s1 =	sld [smem:$0x3FAC]  }
0x28: {  	s2 =	sld [smem:$0x3FAD]  }
0x29: {  	s4 =	sld [smem:$0x3FAF]  }
0x2a: {  	p0 =	seq.s32 s5, $0x0;
	s5 =	sld [smem:$0x3FB0]  }
0x2b: {  	s6 =	sld [smem:$0x3FB1]  }
0x2c: {  	s7 =	sld [smem:$0x3FB2]  }
0x2d: {  	s3 =	simm.s32 $0x108;
	s8 =	sld [smem:$0x3FB3]  }
0x2e: {  	s3 =	simm.s32 @!p0 $0x1082;
	s9 =	sld [smem:$0x3FB4]  }
0x2f: {  	lr =	sadd.s32 s0, s3;
	s0 =	sld [smem:$0x3FAB]  }
0x30: {  	s3 =	sld [smem:$0x3FAE]  }
0x31: {  	[smem:$0x3FB7] =	sst s10  }
0x32: {  	s10 =	sld [smem:$0x3FB5];
	_ =	sdelay $0x3  }
0x33: {  	p0 =	seq.s32 s10, $0x1;
	s10 =	sld [smem:$0x3FB7];
	_ =	sdelay $0x3  }
0x34: {  	[smem:$0x3FB7] =	sst s10  }
0x35: {  	s10 =	sld [smem:$0x3FB6];
	_ =	sdelay $0x3  }
0x36: {  	p1 =	seq.s32 s10, $0x1;
	s10 =	sld [smem:$0x3FB7];
	_ =	sdelay $0x3  }
0x37: {  	[smem:$0x3FB7] =	sst s10  }
0x38: {  	s10 =	sld [smem:$0x3FB8]  }
0x39: {  	_ = 	snop;
	(pc) =	sbr.ind lr, $3  }
0x3a: {  	_ = 	snop  }
0x3b: {  	_ = 	snop  }
0x3c: {  	p2 =	seq.s32 s10, $0x1;
	s10 =	sld [smem:$0x3FB7]  }
0x3d: {  	_ =	shalt  }
0x3e: {  	_ =	shalt  }
0x3f: {  	_ =	shalt  }
0x40: {  	_ =	shalt  }
0x41: {  	_ =	shalt  }
0x42: {  	_ =	shalt  }
0x43: {  	_ =	shalt  }
0x44: {  	_ =	shalt  }
0x45: {  	_ =	shalt  }
0x46: {  	_ =	shalt  }
0x47: {  	_ =	shalt  }
0x48: {  	_ =	shalt  }
0x49: {  	_ =	shalt  }
0x4a: {  	_ =	shalt  }
0x4b: {  	_ =	shalt  }
0x4c: {  	_ =	shalt  }
0x4d: {  	_ =	shalt  }
0x4e: {  	_ =	shalt  }
0x4f: {  	_ =	shalt  }
0x50: {  	_ =	shalt  }
0x51: {  	_ =	shalt  }
0x52: {  	_ =	shalt  }
0x53: {  	_ =	shalt  }
0x54: {  	_ =	shalt  }
0x55: {  	_ =	shalt  }
0x56: {  	_ =	shalt  }
0x57: {  	_ =	shalt  }
0x58: {  	_ =	shalt  }
0x59: {  	_ =	shalt  }
0x5a: {  	_ =	shalt  }
0x5b: {  	_ =	shalt  }
0x5c: {  	_ =	shalt  }
0x5d: {  	_ =	shalt  }
0x5e: {  	_ =	shalt  }
0x5f: {  	_ =	shalt  }
0x60: {  	_ =	shalt  }
0x61: {  	_ =	shalt  }
0x62: {  	_ =	shalt  }
0x63: {  	_ =	shalt  }
0x64: {  	_ =	shalt  }
0x65: {  	_ =	shalt  }
0x66: {  	_ =	shalt  }
0x67: {  	_ =	shalt  }
0x68: {  	_ =	shalt  }
0x69: {  	_ =	shalt  }
0x6a: {  	_ =	shalt  }
0x6b: {  	_ =	shalt  }
0x6c: {  	_ =	shalt  }
0x6d: {  	_ =	shalt  }
0x6e: {  	_ =	shalt  }
0x6f: {  	_ =	shalt  }
0x70: {  	_ =	shalt  }
0x71: {  	_ =	shalt  }
0x72: {  	_ =	shalt  }
0x73: {  	_ =	shalt  }
0x74: {  	_ =	shalt  }
0x75: {  	_ =	shalt  }
0x76: {  	_ =	shalt  }
0x77: {  	_ =	shalt  }
0x78: {  	_ =	shalt  }
0x79: {  	_ =	shalt  }
0x7a: {  	_ =	shalt  }
0x7b: {  	_ =	shalt  }
0x7c: {  	_ =	shalt  }
0x7d: {  	_ =	shalt  }
0x7e: {  	_ =	shalt  }
0x7f: {  	_ =	shalt  }
0x80: {  	_ =	shalt  }
0x81: {  	_ =	shalt  }
0x82: {  	_ =	shalt  }
0x83: {  	_ =	shalt  }
0x84: {  	_ =	shalt  }
0x85: {  	_ =	shalt  }
0x86: {  	_ =	shalt  }
0x87: {  	_ =	shalt  }
.Lfunc_end0:
.L_simem_size_0:
called_computation_lowered:
.L_overlay_start_0:
0x88: {  	s2 =	sld [smem:$0x3FD9]  }
0x89: {  	s3 =	sld [smem:$0x3FFE];
	_ =	sdelay $0x1  }
0x8a: {  	s1 =	srdreg.scid  }
0x8b: {  	s0 =	sand.u32 $0x1, s1  }
0x8c: {  	s17 =	sshll.u32 s0, $0xA;
	s2 =	sadd.s32 s3, s2  }
0x8d: {  	s2 =	sadd.s32 s2, s17  }
0x8e: {  	[smem:$0x3FC3] =	sst s2  }
0x8f: {  	_ = 	snop  }
0x90: {  	s2 =	sld [smem:$0x3FD0];
	(tm) =	ssettm $0x1  }
0x91: {  	s18 =	sld [smem:$0x3FFB];
	_ =	sdelay $0x3  }
0x92: {  	_ =	strace s18  }
0x93: {  	s3 =	sld [smem:$0x3FFC];
	_ =	sdelay $0x3  }
0x94: {  	_ =	strace s3  }
0x95: {  	s3 =	sld [smem:$0x3FFD];
	_ =	sdelay $0x3  }
0x96: {  	_ =	strace s3  }
0x97: {  	_ =	strace $0x8FFFFFFF  }
0x98: {  	s19 =	sld [smem:$0x3FDB];
	_ =	sdelay $0x1  }
0x99: {  	s4 =	simm.s32 $_scs_section_size  }
0x9a: {  	s5 =	simm.s32 $_size__tile_overlayer_lowered;
	s6 =	simm.s32 $_tile_overlayer_lowered  }
0x9b: {  	s22 =	simm.s32 $0x1BFF;
	s21 =	sshll.u32 s6, $0x1;
	s3 =	sadd.s32 s4, s19  }
0x9c: {  	s7 =	simm.s32 $0x0;
	s20 =	sshll.u32 s5, $0x1;
	s5 =	sadd.s32 s21, s3  }
0x9d: {  	[timem:s7], [sflag:s22] =	dma.local [hbm:s5], s20  }
0x9e: {  	_ =	swait.ge [sflag:s22], s20  }
0x9f: {  	s4 =	ssub.s32 $0x0, s20;
	[sflag:s22] =	ssyncset.done $0x0  }
0xa0: {  	[sflag:s22] =	ssyncadd.s32 s4;
	_ =	sdelay $0x1  }
0xa1: {  	s23 =	simm.s32 $0x1B8B  }
0xa2: {  	_ =	swait.ge [sflag:s23], $0x1  }
0xa3: {  	[sflag:s23] =	ssyncset.done $0x0  }
0xa4: {  	s25 =	simm.s32 $0x1B8E;
	s24 =	sld [smem:$0x3FFE];
	[sflag:s23] =	ssyncadd.s32 $0xFFFFFFFF  }
0xa5: {  	s26 =	simm.s32 $execute0_lowered;
	[smem:$0x3FD2] =	sst s25  }
0xa6: {  	s5 =	sshll.u32 s26, $0x1;
	_ =	strace $0x80000046;
	[dreg:$0x1] =	wrdreg $0xFFFFFFFF  }
0xa7: {  	s28 =	simm.s32 $_size_execute0_lowered;
	s3 =	sadd.s32 s3, s5;
	[dreg:$0x0] =	wrdreg $0x0  }
0xa8: {  	s5 =	sshll.u32 s28, $0x1;
	[dreg:$0x2] =	wrdreg s3  }
0xa9: {  	[dreg:$0x3] =	wrdreg s5  }
0xaa: {  	[dreg:$0x4] =	wrdreg $0xC0  }
0xab: {  	_ =	task [dreg:s7], $0x5FFFF  }
0xac: {  	[dreg:$0x1] =	wrdreg $0xFFFFFFFF  }
0xad: {  	[dreg:$0x0] =	wrdreg $0x60  }
0xae: {  	[dreg:$0x2] =	wrdreg s24  }
0xaf: {  	[dreg:$0x3] =	wrdreg s2  }
0xb0: {  	[dreg:$0x4] =	wrdreg $0x9  }
0xb1: {  	_ =	task.clear_ibuf [dreg:s7], $0x5FFFF;
	_ =	strace $0x90000046  }
0xb2: {  	s29 =	simm.s32 $0x9;
	_ =	strace $0x80000048  }
0xb3: {  	_ =	swait.ge [sflag:s29], $0x1  }
0xb4: {  	[sflag:s29] =	ssyncadd.s32 $0xFFFFFFFF  }
0xb5: {  	_ =	strace $0x90000048  }
0xb6: {  	_ =	sfence  }
0xb7: {  	s30 =	sld [smem:$0x0];
	_ =	sdelay $0x2  }
0xb8: {  	s31 =	sshll.u32 s1, $0xD;
	s1 =	sshrl.u32 s1, $0x2  }
0xb9: {  	s3 =	sand.u32 $0x4000, s31;
	s1 =	sadd.s32 s1, s30  }
0xba: {  	s0 =	sor.u32 s3, s0;
	s1 =	sshll.u32 s1, $0x11  }
0xbb: {  	s0 =	sor.u32 s1, s0  }
0xbc: {  	s0 =	sadd.s32 $0x8F2B, s0  }
0xbd: {  	[sflag:s0] =	ssyncadd.remote.s32 $0x1  }
0xbe: {  	_ =	sfence.sel $0xFFFF  }
0xbf: {  	[dreg:$0x0] =	wrdreg $0xFFFFFFFF;
	(pc) =	sbr.abs _section_cstart, $3  }
0xc0: {  	[dreg:$0x1] =	wrdreg $0xFFFFFFFF  }
0xc1: {  	_ =	task.clear_ibuf [dreg:s7], $0x2FFFF;
	_ =	strace $0x9FFFFFFF  }
0xc2: {  	(tm) =	ssettm $0x7FFFFFFF  }
0xc3: {  	_ =	shalt  }
tec
execute0_lowered:
.L_overlay_start_1:
0x0: {  	(tag) =	ssettag $0x1  }
0x1: {  	s3 =	rddreg [dreg:$0x0]  }
0x2: {  	s6 =	rddreg [dreg:$0x1];
	s1 =	srdreg.scid  }
0x3: {  	s0 =	rddreg [dreg:$0x2];
	s2 =	simm.s32 $0x0;
	s4 =	sand.u32 $0x1, s1  }
0x4: {  	[smem:$0x7FF] =	sst s2;
	s5 =	smul.u32 $0x278000, s4  }
0x5: {  	s1 =	stileid.u32;
	s7 =	smul.u32 $0x27800, s4  }
0x6: {  	_ =	strace $0x80000047;
	s4 =	ssub.s32 $0x2, s4;
	s8 =	smul.u32 $0x2780, s1  }
0x7: {  	s10 =	smul.u32 $0x27800, s1;
	s9 =	sshrl.u32 s4, $0x1;
	s5 =	sadd.s32 s5, s3  }
0x8: {  	s3 =	sadd.s32 $0x3200, s3;
	s4 =	ssub.s32 s4, s9;
	s7 =	sadd.s32 s8, s7  }
0x9: {  	s8 =	simm.s32 $0x80;
	s9 =	simm.s32 $0x1;
	s4 =	smax.u32 s4, $0x1  }
0xa: {  	s5 =	sadd.s32 s10, s5;
	s7 =	sshrl.u32 s7, $0x3;
	s10 =	simm.s32 $0x0  }
0xb: {  	s5 =	sadd.s32 $0x7B200, s5;
	s6 =	sadd.s32 s7, s6;
	s7 =	simm.s32 $0x2  }
.LBB2_1:
0xc: {  	s11 =	sadd.s32 $0x0, s6  }
0xd: {  	[tilespmem:s2], [sflag:$0x2] =	stream.linear.gather [hbm4b:s11+s2], $0x80, $0x38;
	[tilespmem:$0x4080] =	vst v63  }
0xe: {  	_ =	swait.ge [sflag:s7], $0x80  }
0xf: {  	[sflag:s7] =	ssyncset.done $0x0  }
0x10: {  	[sflag:s7] =	ssyncadd.s32 $0xFFFFFF80  }
0x11: {  	[tilespmem:s8], [sflag:$0x1] =	stream.indirect.gather [hbm4b:s3+s8], $0x80, s2, s8, $0xb8;
	[tilespmem:$0x4080] =	vst v63  }
0x12: {  	_ =	swait.ge [sflag:s9], $0x4000  }
0x13: {  	[sflag:s9] =	ssyncset.done $0x0  }
0x14: {  	[sflag:s9] =	ssyncadd.s32 $0xFFFFC000  }
0x15: {  	[hbm4b:s5+s2] =	stream.linear.scatter [tilespmem:s8], [sflag:$0x2], $0x4000, $0x38;
	[tilespmem:$0x4080] =	vst v63  }
0x16: {  	s12 =	simm.s32 $0x10;
	_ =	swait.ge [sflag:s7], $0x4000  }
0x17: {  	s13 =	simm.s32 $0x20;
	s11 =	sadd.s32 $0x800, s5;
	[sflag:s7] =	ssyncset.done $0x0  }
.LBB2_2:
0x18: {  	s14 =	sadd.s32 s12, s6  }
0x19: {  	[sflag:s7] =	ssyncadd.s32 $0xFFFFC000;
	s12 =	smov.u32 s13;
	s15 =	sadd.s32 $0x10, s13  }
0x1a: {  	[tilespmem:s2], [sflag:$0x2] =	stream.linear.gather [hbm4b:s14+s2], $0x80, $0x38;
	[tilespmem:$0x4080] =	vst v63  }
0x1b: {  	p0 =	sne.s32 s13, $0x4E0;
	_ =	swait.ge [sflag:s7], $0x80  }
0x1c: {  	[sflag:s7] =	ssyncset.done $0x0  }
0x1d: {  	[sflag:s7] =	ssyncadd.s32 $0xFFFFFF80  }
0x1e: {  	[tilespmem:s8], [sflag:$0x1] =	stream.indirect.gather [hbm4b:s3+s8], $0x80, s2, s8, $0xb8;
	[tilespmem:$0x4080] =	vst v63  }
0x1f: {  	_ =	swait.ge [sflag:s9], $0x4000  }
.Ltmp0:
0x20: {  	[sflag:s9] =	ssyncset.done $0x0;
	(pc) =	sbr.rel @p0 .LBB2_2-.Ltmp0, $4  }
0x21: {  	[sflag:s9] =	ssyncadd.s32 $0xFFFFC000  }
0x22: {  	[hbm4b:s11+s2] =	stream.linear.scatter [tilespmem:s8], [sflag:$0x2], $0x4000, $0x38;
	[tilespmem:$0x4080] =	vst v63  }
0x23: {  	_ =	swait.ge [sflag:s7], $0x4000  }
0x24: {  	s13 =	smov.u32 s15;
	s11 =	sadd.s32 $0x800, s11;
	[sflag:s7] =	ssyncset.done $0x0  }
0x25: {  	s12 =	sadd.s32 s12, s6;
	[sflag:s7] =	ssyncadd.s32 $0xFFFFC000  }
0x26: {  	[tilespmem:s2], [sflag:$0x2] =	stream.linear.gather [hbm4b:s12+s2], $0x80, $0x38;
	[tilespmem:$0x4080] =	vst v63  }
0x27: {  	_ =	swait.ge [sflag:s7], $0x80  }
0x28: {  	[sflag:s7] =	ssyncset.done $0x0  }
0x29: {  	[sflag:s7] =	ssyncadd.s32 $0xFFFFFF80  }
0x2a: {  	[tilespmem:s8], [sflag:$0x1] =	stream.indirect.gather [hbm4b:s3+s8], $0x80, s2, s8, $0xb8;
	[tilespmem:$0x4080] =	vst v63  }
0x2b: {  	s10 =	sadd.s32 $0x1, s10;
	_ =	swait.ge [sflag:s9], $0x4000  }
0x2c: {  	p0 =	sne.s32 s10, s4;
	[sflag:s9] =	ssyncset.done $0x0  }
.Ltmp1:
0x2d: {  	[sflag:s9] =	ssyncadd.s32 $0xFFFFC000;
	(pc) =	sbr.rel @p0 .LBB2_1-.Ltmp1, $4  }
0x2e: {  	[hbm4b:s11+s2] =	stream.linear.scatter [tilespmem:s8], [sflag:$0x2], $0x4000, $0x38;
	[tilespmem:$0x4080] =	vst v63  }
0x2f: {  	_ =	swait.ge [sflag:s7], $0x4000  }
0x30: {  	[sflag:s7] =	ssyncset.done $0x0  }
0x31: {  	[sflag:s7] =	ssyncadd.s32 $0xFFFFC000  }
0x32: {  	_ =	sfence.sel $0x180000  }
0x33: {  	[bflag:$0x0] =	sbarrier.arrive $0xFFFF  }
0x34: {  	p0 =	sne.s32 s1, $0x0;
	_ =	strace $0x90000047  }
0x35: {  	s0 =	sadd.s32 @!p0 $0x100000, s0;
	[bflag:$0x2] =	sbarrier.arrive $0xFFFF  }
0x36: {  	[sflag:s0] =	ssyncadd.tile.s32 @!p0 $0x1;
	_ =	shalt  }
.Lfunc_end2:
_tile_overlayer_lowered:
.L_overlay_start_2:
0x37: {  	(tag) =	ssettag $0x2  }
0x38: {  	s0 =	rddreg [dreg:$0x0];
	s2 =	stileid.u32  }
0x39: {  	s1 =	rddreg [dreg:$0x1];
	p0 =	sne.s32 s2, $0x0  }
0x3a: {  	s3 =	rddreg [dreg:$0x2];
	[bflag:$0x3] =	sbarrier.arrive $0xFFFF;
	s2 =	simm.s32 @!p0 $0x1C02  }
0x3b: {  	[timem:s3], [sflag:s2] =	dma.local @!p0 [hbm:s0], s1  }
0x3c: {  	s0 =	simm.s32 @!p0 $0x2  }
0x3d: {  	_ =	swait.ge @!p0 [sflag:s0], s1  }
0x3e: {  	s1 =	ssub.s32 @!p0 $0x0, s1;
	[sflag:s0] =	ssyncset.done @!p0 $0x0  }
0x3f: {  	[sflag:s0] =	ssyncadd.s32 @!p0 s1  }
0x40: {  	[bflag:$0x3] =	sbarrier.arrive $0xFFFF  }
0x41: {  	_ =	shalt  }

</sc_bundles>
